<compile_context>
chip_gen: v7x
topology: tpu7x:2x2x1
jax: 0.10.2.dev20260603
libtpu: 0.0.44.dev20260713+nightly
codegen_flags: <defaults>
</compile_context>

<pallas_src>
import functools

import jax
import jax.numpy as jnp
from jax import lax
from jax.experimental import pallas as pl
from jax.experimental.pallas import tpu as pltpu
from jax.experimental.pallas import tpu_sc as plsc

_MIN_RADIUS = 8.0
_MAX_RADIUS = 96.0
_COST_POINT = 8.0
_COST_CLASS = 1.0
_EPS = 1e-08
_SCALE_WEIGHT = 0.02

_NB = 32
_ROWS_PER_BAND = 4
_SENTINEL = 1e9

_NC = 2
_NS = 16
_L = 16


def _sc_compact_body(n, cap, bx_hbm, by_hbm, par_hbm,
                     cx_hbm, cy_hbm, cnt_hbm,
                     pxv, pyv, parv, cbx, cby, cntv):
    c = lax.axis_index("c")
    s = lax.axis_index("s")
    wid = c * _NS + s

    pltpu.sync_copy(bx_hbm, pxv)
    pltpu.sync_copy(by_hbm, pyv)
    pltpu.sync_copy(par_hbm, parv)

    lidx = lax.iota(jnp.int32, _L)
    pv = parv[pl.ds(0, _L)]
    down = jnp.sum(jnp.where(lidx == 0, pv, 0.0))
    half = (down - 1.0) * 0.5
    widf = wid.astype(jnp.float32)
    lo = (_ROWS_PER_BAND * widf) * down + half - _MAX_RADIUS
    hi = (_ROWS_PER_BAND * widf + (_ROWS_PER_BAND - 1)) * down + half \
        + _MAX_RADIUS

    def step(i, cnt, lane_mask=None):
        xv = pxv[pl.ds(i * _L, _L)]
        yv = pyv[pl.ds(i * _L, _L)]
        m = jnp.logical_and(yv >= lo, yv <= hi)
        if lane_mask is not None:
            m = jnp.logical_and(m, lane_mask)
        plsc.store_compressed(cbx.at[pl.ds(cnt, _L)], xv, mask=m)
        plsc.store_compressed(cby.at[pl.ds(cnt, _L)], yv, mask=m)
        return cnt + jnp.sum(jnp.where(m, 1, 0).astype(jnp.int32))

    cnt = plsc.parallel_loop(0, n // _L, 1, unroll=4,
                             carry=jnp.int32(0))(
        lambda i, c: step(i, c))
    rem = n % _L
    if rem:
        cnt = step(n // _L, cnt, lane_mask=lidx < rem)

    sent = jnp.full((_L,), _SENTINEL, dtype=jnp.float32)
    for j in range(24):
        cbx[pl.ds(cnt + j * _L, _L)] = sent
        cby[pl.ds(cnt + j * _L, _L)] = sent

    pltpu.sync_copy(cbx, cx_hbm.at[wid, 0])
    pltpu.sync_copy(cby, cy_hbm.at[wid, 0])
    cntv[pl.ds(0, _L)] = jnp.full((_L,), cnt, dtype=jnp.int32)
    pltpu.sync_copy(cntv, cnt_hbm.at[pl.ds(wid * _L, _L)])


def _tc_body(npix, cap, gt_count,
             scal_ref, cnt_ref, cx0_ref, cy0_ref, cx1_ref, cy1_ref,
             m2_ref, px0_s, py0_s):
    i = pl.program_id(0)
    down = scal_ref[0]
    half = (down - 1.0) * 0.5

    @pl.when(i == 0)
    def _():
        idx = lax.broadcasted_iota(jnp.int32, (512, 1), 0)
        px0_s[...] = (idx % 128).astype(jnp.float32) * down + half
        py0_s[...] = (idx // 128).astype(jnp.float32) * down + half

    px = px0_s[...]
    d2cap = _MAX_RADIUS * _MAX_RADIUS

    def band_min(b, cx_ref, cy_ref):
        bf = lax.convert_element_type(b, jnp.float32)
        py = py0_s[...] + (down * float(_ROWS_PER_BAND)) * bf
        cnt = cnt_ref[b * _L]
        nch = (cnt + 127) // 128

        def chunk(k, acc):
            cxk = cx_ref[0, 0, pl.ds(k * 128, 128)].reshape(1, 128)
            cyk = cy_ref[0, 0, pl.ds(k * 128, 128)].reshape(1, 128)
            dx = px - cxk
            dy = py - cyk
            return jnp.minimum(acc, dx * dx + dy * dy)

        acc = jnp.full((512, 128), d2cap, dtype=jnp.float32)
        for k in range(3):
            acc = chunk(k, acc)
        acc = lax.fori_loop(3, nch, chunk, acc)
        m2 = jnp.min(acc, axis=1, keepdims=True)
        return m2.reshape(_ROWS_PER_BAND, 128)

    m2_ref[...] = jnp.concatenate(
        [band_min(2 * i, cx0_ref, cy0_ref),
         band_min(2 * i + 1, cx1_ref, cy1_ref)], axis=0)


def _tc_bce_body(npix, gt_count, scal_ref, m2_ref, den_ref, out_ref):
    m2 = m2_ref[...]
    minc = jnp.sqrt(m2)
    t = (minc < _MIN_RADIUS).astype(jnp.float32)
    w = jnp.where(t > 0, _COST_POINT, _COST_CLASS * (minc / _MAX_RADIUS))

    den_raw = den_ref[...]
    den = jnp.maximum(den_raw, 0.0)
    dmax = jnp.max(den)
    p = jnp.where(dmax > 0, den / (dmax + _EPS), jnp.zeros_like(den))
    p = jnp.clip(p, 1e-07, 1.0 - 1e-07)
    bce = -(t * jnp.log(p) + (1.0 - t) * jnp.log(1.0 - p))

    loss = jnp.sum(w * bce) / npix
    down = scal_ref[0]
    pred_c = jnp.sum(den_raw) / (down * down)
    pen = _SCALE_WEIGHT * jnp.abs(pred_c - gt_count)
    out_ref[0, 0] = loss + pen


def kernel(dens, points, down):
    down_f = jnp.asarray(down, dtype=jnp.float32)
    assert points.shape[0] == 1
    den = dens[0, 0]
    H, W = den.shape
    npix = H * W
    n = points.shape[1]

    npad = ((n + _L - 1) // _L) * _L
    bx = jnp.pad(points[0, :, 0].astype(jnp.float32), (0, npad - n))
    by = jnp.pad(points[0, :, 1].astype(jnp.float32), (0, npad - n))
    params = jnp.broadcast_to(down_f, (_L,))

    cap = ((npad // 128) + 4) * 128
    mesh = plsc.VectorSubcoreMesh(core_axis_name="c", subcore_axis_name="s")
    sc_body = functools.partial(_sc_compact_body, n, cap)
    cx, cy, cnts = pl.kernel(
        sc_body,
        out_type=(
            jax.ShapeDtypeStruct((_NB, 1, cap), jnp.float32),
            jax.ShapeDtypeStruct((_NB, 1, cap), jnp.float32),
            jax.ShapeDtypeStruct((_NB * _L,), jnp.int32),
        ),
        mesh=mesh,
        compiler_params=pltpu.CompilerParams(needs_layout_passes=False),
        scratch_types=[
            pltpu.VMEM((npad,), jnp.float32),
            pltpu.VMEM((npad,), jnp.float32),
            pltpu.VMEM((_L,), jnp.float32),
            pltpu.VMEM((cap,), jnp.float32),
            pltpu.VMEM((cap,), jnp.float32),
            pltpu.VMEM((_L,), jnp.int32),
        ],
    )(bx, by, params)

    scal = jnp.stack([down_f])
    body = functools.partial(_tc_body, float(npix), cap, float(n))
    m2 = pl.pallas_call(
        body,
        grid=(_NB // 2,),
        in_specs=[
            pl.BlockSpec(memory_space=pltpu.SMEM),
            pl.BlockSpec(memory_space=pltpu.SMEM),
            pl.BlockSpec((1, 1, cap), lambda i: (2 * i, 0, 0)),
            pl.BlockSpec((1, 1, cap), lambda i: (2 * i, 0, 0)),
            pl.BlockSpec((1, 1, cap), lambda i: (2 * i + 1, 0, 0)),
            pl.BlockSpec((1, 1, cap), lambda i: (2 * i + 1, 0, 0)),
        ],
        out_specs=pl.BlockSpec((2 * _ROWS_PER_BAND, 128), lambda i: (i, 0)),
        out_shape=jax.ShapeDtypeStruct((H, W), jnp.float32),
        scratch_shapes=[
            pltpu.VMEM((512, 1), jnp.float32),
            pltpu.VMEM((512, 1), jnp.float32),
        ],
        compiler_params=pltpu.CompilerParams(
            dimension_semantics=("arbitrary",),
        ),
    )(scal, cnts, cx, cy, cx, cy)

    bce_body = functools.partial(_tc_bce_body, float(npix), float(n))
    out = pl.pallas_call(
        bce_body,
        in_specs=[
            pl.BlockSpec(memory_space=pltpu.SMEM),
            pl.BlockSpec((H, W), lambda: (0, 0)),
            pl.BlockSpec((H, W), lambda: (0, 0)),
        ],
        out_specs=pl.BlockSpec((1, 1), lambda: (0, 0),
                               memory_space=pltpu.SMEM),
        out_shape=jax.ShapeDtypeStruct((1, 1), jnp.float32),
    )(scal, m2, den)
    return out[0, 0]

# --- scband reference (transcript-rebuilt; emitter-appended) ---
"""Pipeline reference for scband-p2-rloss-83459804495938 (READ-ONLY COPY).

The authoritative reference and input builder live on the scoring server;
editing this copy changes nothing except your own understanding.
"""

import jax, jax.numpy as jnp
import numpy as np

REDUCTION = "mean"
CHUNK_SIZE = 4096
SCALE_WEIGHT = 0.02
MIN_RADIUS = 8.0
MAX_RADIUS = 96.0
COST_POINT = 8.0
COST_CLASS = 1.0
EPS = 1e-08


def _safe_normalize_01(x, eps=1e-08):
    x = jnp.clip(x, 0.0, None)
    xmax = jnp.max(x)
    return jnp.where(xmax > 0, x / (xmax + eps), jnp.zeros_like(x))


def setup_inputs(seed: int = 0) -> dict:
    key = jax.random.key(seed)
    k1, k2 = jax.random.split(key)
    H = W = 128
    down = 16
    # non-negative continuous density map [B,1,H,W]
    dens = jax.nn.softplus(jax.random.normal(k1, (1, 1, H, W), dtype=jnp.float32) - 2.0)
    # GT points in input-image space (x in [0, W*down), y in [0, H*down))
    pts = jax.random.uniform(k2, (1, 3000, 2), dtype=jnp.float32)
    pts = pts * jnp.array([W * down - 1.0, H * down - 1.0], dtype=jnp.float32)
    return {"dens": dens, "points": pts, "down": down}


def reference(dens, points, down=16):
    down_h = down_w = jnp.asarray(down, dtype=jnp.float32)
    B = points.shape[0]
    total_loss = jnp.asarray(0.0, dtype=jnp.float32)
    pred_counts = []
    gt_counts = []
    for i in range(B):
        den = dens[i, 0]  # [H, W]
        H, W = den.shape
        seq = points[i].astype(jnp.float32)  # [N, 2] (x, y)
        H_in = H * down_h
        W_in = W * down_w
        sx = jnp.clip(seq[:, 0], 0.0, W_in - 1.0)
        sy = jnp.clip(seq[:, 1], 0.0, H_in - 1.0)
        B_coord = jnp.stack([sx, sy], axis=-1)  # [N, 2]
        rows = jnp.arange(H, dtype=jnp.float32)
        cols = jnp.arange(W, dtype=jnp.float32)
        rr, cc = jnp.meshgrid(rows, cols, indexing="ij")
        rr_in = rr * down_h + (down_h - 1.0) / 2.0
        cc_in = cc * down_w + (down_w - 1.0) / 2.0
        A_coord = jnp.stack([cc_in.reshape(-1), rr_in.reshape(-1)], axis=-1)  # [HW, 2] (x, y)
        # streaming min distances; matches @torch.no_grad() in the original
        Bc = jax.lax.stop_gradient(B_coord)
        n_pix = A_coord.shape[0]
        minC_chunks = []
        for s in range(0, n_pix, CHUNK_SIZE):
            e = min(s + CHUNK_SIZE, n_pix)
            d = jnp.linalg.norm(A_coord[s:e, None, :] - Bc[None, :, :], axis=-1)  # L2DIS, factor=1
            minC_chunks.append(jnp.min(d, axis=-1))
        minC = jnp.concatenate(minC_chunks, axis=0)  # [HW]
        # binary target: pixel is positive if a point lies within min_radius (input space)
        T = (minC < MIN_RADIUS).astype(jnp.float32)
        # distance-scaled weights, clamped at max_radius for stability
        minC_cl = jnp.clip(minC, 0.0, MAX_RADIUS)
        w = jnp.where(T > 0, COST_POINT, COST_CLASS * (minC_cl / MAX_RADIUS))
        p = _safe_normalize_01(den).reshape(-1)
        p = jnp.clip(p, 1e-07, 1.0 - 1e-07)
        bce = -(T * jnp.log(p) + (1.0 - T) * jnp.log(1.0 - p))
        loss_i = jnp.mean(w * bce)
        total_loss = total_loss + loss_i
        pred_counts.append(jnp.sum(dens[i]) / (down_h * down_w))
        gt_counts.append(jnp.asarray(float(seq.shape[0]), dtype=jnp.float32))
    pred_c = jnp.stack(pred_counts)
    gt_c = jnp.stack(gt_counts)
    scale_pen = SCALE_WEIGHT * jnp.mean(jnp.abs(pred_c - gt_c))
    if REDUCTION == "mean":
        total_loss = total_loss / B
    return total_loss + scale_pen

if __name__ == "__main__":
    import jax
    _d = setup_inputs()
    print(jax.jit(kernel)(*tuple(_d.values())))

</pallas_src>

<mosaic_0001>
#map = affine_map<(d0, d1) -> (0)>
#map1 = affine_map<(d0, d1) -> (0, 0, 0)>
module attributes {stable_mosaic.version = 14 : i64} {
  func.func @_sc_compact_body(%arg0: i32, %arg1: i32, %arg2: memref<3008xf32, #tpu.memory_space<hbm>>, %arg3: memref<3008xf32, #tpu.memory_space<hbm>>, %arg4: memref<16xf32, #tpu.memory_space<hbm>>, %arg5: memref<32x1x3456xf32, #tpu.memory_space<hbm>>, %arg6: memref<32x1x3456xf32, #tpu.memory_space<hbm>>, %arg7: memref<512xi32, #tpu.memory_space<hbm>>, %arg8: memref<3008xf32, #tpu.memory_space<vmem>>, %arg9: memref<3008xf32, #tpu.memory_space<vmem>>, %arg10: memref<16xf32, #tpu.memory_space<vmem>>, %arg11: memref<3456xf32, #tpu.memory_space<vmem>>, %arg12: memref<3456xf32, #tpu.memory_space<vmem>>, %arg13: memref<16xi32, #tpu.memory_space<vmem>>) attributes {dimension_semantics = [#tpu.dimension_semantics<core_parallel>, #tpu.dimension_semantics<subcore_parallel>], iteration_bounds = array<i64: 2, 16>, scalar_prefetch = 0 : i64, scratch_operands = 6 : i64, tpu.core_type = #tpu.core_type<sc_vector_subcore>, window_params = [{transform_indices = #map}, {transform_indices = #map}, {transform_indices = #map}, {transform_indices = #map1}, {transform_indices = #map1}, {transform_indices = #map}]} {
    %mul3A = arith.constant 16 : i32
    %mul3A_0 = arith.muli %arg0, %mul3A : i32
    %add3A = arith.addi %mul3A_0, %arg1 : i32
    "tpu.region"() ({
      %run_scoped3A_250 = tpu.sem_alloc : memref<!tpu.dma_semaphore, #tpu.memory_space<semaphore_mem>>
      tpu.enqueue_dma source(%arg2 : memref<3008xf32, #tpu.memory_space<hbm>>) target(%arg8 : memref<3008xf32, #tpu.memory_space<vmem>>) target_semaphore(%run_scoped3A_250 : memref<!tpu.dma_semaphore, #tpu.memory_space<semaphore_mem>>)
      tpu.wait_dma2 semaphore(%run_scoped3A_250 : memref<!tpu.dma_semaphore, #tpu.memory_space<semaphore_mem>>) src(%arg2 : memref<3008xf32, #tpu.memory_space<hbm>>) dst(%arg8 : memref<3008xf32, #tpu.memory_space<vmem>>)
      tpu.yield
    }) : () -> ()
    "tpu.region"() ({
      %run_scoped3A_250 = tpu.sem_alloc : memref<!tpu.dma_semaphore, #tpu.memory_space<semaphore_mem>>
      tpu.enqueue_dma source(%arg3 : memref<3008xf32, #tpu.memory_space<hbm>>) target(%arg9 : memref<3008xf32, #tpu.memory_space<vmem>>) target_semaphore(%run_scoped3A_250 : memref<!tpu.dma_semaphore, #tpu.memory_space<semaphore_mem>>)
      tpu.wait_dma2 semaphore(%run_scoped3A_250 : memref<!tpu.dma_semaphore, #tpu.memory_space<semaphore_mem>>) src(%arg3 : memref<3008xf32, #tpu.memory_space<hbm>>) dst(%arg9 : memref<3008xf32, #tpu.memory_space<vmem>>)
      tpu.yield
    }) : () -> ()
    "tpu.region"() ({
      %run_scoped3A_250 = tpu.sem_alloc : memref<!tpu.dma_semaphore, #tpu.memory_space<semaphore_mem>>
      tpu.enqueue_dma source(%arg4 : memref<16xf32, #tpu.memory_space<hbm>>) target(%arg10 : memref<16xf32, #tpu.memory_space<vmem>>) target_semaphore(%run_scoped3A_250 : memref<!tpu.dma_semaphore, #tpu.memory_space<semaphore_mem>>)
      tpu.wait_dma2 semaphore(%run_scoped3A_250 : memref<!tpu.dma_semaphore, #tpu.memory_space<semaphore_mem>>) src(%arg4 : memref<16xf32, #tpu.memory_space<hbm>>) dst(%arg10 : memref<16xf32, #tpu.memory_space<vmem>>)
      tpu.yield
    }) : () -> ()
    %iota3A = tpu.iota {dimensions = array<i32: 0>} : vector<16xi32>
    %get3A = arith.constant 0 : index
    %get3A_1 = tpu.vector_load %arg10[%get3A] {strides = array<i32>} : memref<16xf32, #tpu.memory_space<vmem>>, vector<16xf32>,
    %eq3A = arith.constant 0 : i32
    %eq3A_2 = vector.broadcast %eq3A : i32 to vector<16xi32>
    %eq3A_3 = arith.cmpi eq, %iota3A, %eq3A_2 : vector<16xi32>
    %jit3A = arith.constant 0.000000e+00 : f32
    %broadcast_in_dim3A = vector.broadcast %jit3A : f32 to vector<16xf32>
    %select_n3A = arith.select %eq3A_3, %get3A_1, %broadcast_in_dim3A : vector<16xi1>, vector<16xf32>
    %reduce_sum3A = arith.constant true
    %reduce_sum3A_4 = vector.broadcast %reduce_sum3A : i1 to vector<16xi1>
    %reduce_sum3A_5 = tpu.scan <sum>, %select_n3A masked %reduce_sum3A_4 : vector<16xf32>, vector<16xi1> -> vector<16xf32>
    %reduce_sum3A_6 = vector.extract %reduce_sum3A_5[15] : f32 from vector<16xf32>
    %sub3A = arith.constant 1.000000e+00 : f32
    %sub3A_7 = arith.subf %reduce_sum3A_6, %sub3A : f32
    %mul3A_8 = arith.constant 5.000000e-01 : f32
    %mul3A_9 = arith.mulf %sub3A_7, %mul3A_8 : f32
    %convert_element_type3A = arith.sitofp %add3A : i32 to f32
    %mul3A_10 = arith.constant 4.000000e+00 : f32
    %mul3A_11 = arith.mulf %mul3A_10, %convert_element_type3A : f32
    %mul3A_12 = arith.mulf %mul3A_11, %reduce_sum3A_6 : f32
    %add3A_13 = arith.addf %mul3A_12, %mul3A_9 : f32
    %sub3A_14 = arith.constant 9.600000e+01 : f32
    %sub3A_15 = arith.subf %add3A_13, %sub3A_14 : f32
    %mul3A_16 = arith.constant 4.000000e+00 : f32
    %mul3A_17 = arith.mulf %mul3A_16, %convert_element_type3A : f32
    %add3A_18 = arith.constant 3.000000e+00 : f32
    %add3A_19 = arith.addf %mul3A_17, %add3A_18 : f32
    %mul3A_20 = arith.mulf %add3A_19, %reduce_sum3A_6 : f32
    %add3A_21 = arith.addf %mul3A_20, %mul3A_9 : f32
    %add3A_22 = arith.constant 9.600000e+01 : f32
    %add3A_23 = arith.addf %add3A_21, %add3A_22 : f32
    %parallel_loop3A = arith.constant 0 : i32
    %parallel_loop3A_24 = arith.constant 187 : i32
    %parallel_loop3A_25 = arith.constant 1 : i32
    %parallel_loop3A_26 = arith.constant 0 : i32
    %parallel_loop3A_27 = scf.for %parallel_loop3A_250 = %parallel_loop3A to %parallel_loop3A_24 step %parallel_loop3A_25 iter_args(%parallel_loop3A_251 = %parallel_loop3A_26) -> (i32)  : i32 {
      %parallel_loop3A_252 = arith.constant 16 : i32
      %parallel_loop3A_253 = arith.muli %parallel_loop3A_250, %parallel_loop3A_252 : i32
      %parallel_loop3A_254 = arith.index_cast %parallel_loop3A_253 : i32 to index
      %parallel_loop3A_255 = tpu.vector_load %arg8[%parallel_loop3A_254] {strides = array<i32>} : memref<3008xf32, #tpu.memory_space<vmem>>, vector<16xf32>,
      %parallel_loop3A_256 = arith.constant 16 : i32
      %parallel_loop3A_257 = arith.muli %parallel_loop3A_250, %parallel_loop3A_256 : i32
      %parallel_loop3A_258 = arith.index_cast %parallel_loop3A_257 : i32 to index
      %parallel_loop3A_259 = tpu.vector_load %arg9[%parallel_loop3A_258] {strides = array<i32>} : memref<3008xf32, #tpu.memory_space<vmem>>, vector<16xf32>,
      %parallel_loop3A_260 = vector.broadcast %sub3A_15 : f32 to vector<16xf32>
      %parallel_loop3A_261 = arith.cmpf oge, %parallel_loop3A_259, %parallel_loop3A_260 : vector<16xf32>
      %parallel_loop3A_262 = vector.broadcast %add3A_23 : f32 to vector<16xf32>
      %parallel_loop3A_263 = arith.cmpf ole, %parallel_loop3A_259, %parallel_loop3A_262 : vector<16xf32>
      %parallel_loop3A_264 = arith.andi %parallel_loop3A_261, %parallel_loop3A_263 : vector<16xi1>
      %parallel_loop3A_265 = arith.index_cast %parallel_loop3A_251 : i32 to index
      %parallel_loop3A_266 = tpu.vector_load %arg11[%parallel_loop3A_265] masked %parallel_loop3A_264 {strides = array<i32>} : memref<3456xf32, #tpu.memory_space<vmem>>, vector<16xf32>, vector<16xi1>
      tpu.vector_store %arg11[%parallel_loop3A_265], %parallel_loop3A_255 masked %parallel_loop3A_264 {strides = array<i32>} : memref<3456xf32, #tpu.memory_space<vmem>>, vector<16xf32>, vector<16xi1>
      %parallel_loop3A_267 = arith.index_cast %parallel_loop3A_251 : i32 to index
      %parallel_loop3A_268 = tpu.vector_load %arg12[%parallel_loop3A_267] masked %parallel_loop3A_264 {strides = array<i32>} : memref<3456xf32, #tpu.memory_space<vmem>>, vector<16xf32>, vector<16xi1>
      tpu.vector_store %arg12[%parallel_loop3A_267], %parallel_loop3A_259 masked %parallel_loop3A_264 {strides = array<i32>} : memref<3456xf32, #tpu.memory_space<vmem>>, vector<16xf32>, vector<16xi1>
      %parallel_loop3A_269 = arith.constant 1 : i32
      %parallel_loop3A_270 = arith.constant 0 : i32
      %parallel_loop3A_271 = vector.broadcast %parallel_loop3A_269 : i32 to vector<16xi32>
      %parallel_loop3A_272 = vector.broadcast %parallel_loop3A_270 : i32 to vector<16xi32>
      %parallel_loop3A_273 = arith.select %parallel_loop3A_264, %parallel_loop3A_271, %parallel_loop3A_272 : vector<16xi1>, vector<16xi32>
      %parallel_loop3A_274 = arith.constant true
      %parallel_loop3A_275 = vector.broadcast %parallel_loop3A_274 : i1 to vector<16xi1>
      %parallel_loop3A_276 = tpu.scan <sum>, %parallel_loop3A_273 masked %parallel_loop3A_275 : vector<16xi32>, vector<16xi1> -> vector<16xi32>
      %parallel_loop3A_277 = vector.extract %parallel_loop3A_276[15] : i32 from vector<16xi32>
      %parallel_loop3A_278 = arith.addi %parallel_loop3A_251, %parallel_loop3A_277 : i32
      scf.yield %parallel_loop3A_278 : i32
    } {sc.loop_unroll_factor = 4 : i64, sc.parallel_access}
    %lt3A = arith.constant 8 : i32
    %lt3A_28 = vector.broadcast %lt3A : i32 to vector<16xi32>
    %lt3A_29 = arith.cmpi slt, %iota3A, %lt3A_28 : vector<16xi32>
    %get3A_30 = arith.constant 2992 : index
    %get3A_31 = tpu.vector_load %arg8[%get3A_30] {strides = array<i32>} : memref<3008xf32, #tpu.memory_space<vmem>>, vector<16xf32>,
    %get3A_32 = arith.constant 2992 : index
    %get3A_33 = tpu.vector_load %arg9[%get3A_32] {strides = array<i32>} : memref<3008xf32, #tpu.memory_space<vmem>>, vector<16xf32>,
    %ge3A = vector.broadcast %sub3A_15 : f32 to vector<16xf32>
    %ge3A_34 = arith.cmpf oge, %get3A_33, %ge3A : vector<16xf32>
    %le3A = vector.broadcast %add3A_23 : f32 to vector<16xf32>
    %le3A_35 = arith.cmpf ole, %get3A_33, %le3A : vector<16xf32>
    %and3A = arith.andi %ge3A_34, %le3A_35 : vector<16xi1>
    %and3A_36 = arith.andi %and3A, %lt3A_29 : vector<16xi1>
    %swap3A = arith.index_cast %parallel_loop3A_27 : i32 to index
    %swap3A_37 = tpu.vector_load %arg11[%swap3A] masked %and3A_36 {strides = array<i32>} : memref<3456xf32, #tpu.memory_space<vmem>>, vector<16xf32>, vector<16xi1>
    tpu.vector_store %arg11[%swap3A], %get3A_31 masked %and3A_36 {strides = array<i32>} : memref<3456xf32, #tpu.memory_space<vmem>>, vector<16xf32>, vector<16xi1>
    %swap3A_38 = arith.index_cast %parallel_loop3A_27 : i32 to index
    %swap3A_39 = tpu.vector_load %arg12[%swap3A_38] masked %and3A_36 {strides = array<i32>} : memref<3456xf32, #tpu.memory_space<vmem>>, vector<16xf32>, vector<16xi1>
    tpu.vector_store %arg12[%swap3A_38], %get3A_33 masked %and3A_36 {strides = array<i32>} : memref<3456xf32, #tpu.memory_space<vmem>>, vector<16xf32>, vector<16xi1>
    %jit3A_40 = arith.constant 1 : i32
    %jit3A_41 = arith.constant 0 : i32
    %broadcast_in_dim3A_42 = vector.broadcast %jit3A_40 : i32 to vector<16xi32>
    %broadcast_in_dim3A_43 = vector.broadcast %jit3A_41 : i32 to vector<16xi32>
    %select_n3A_44 = arith.select %and3A_36, %broadcast_in_dim3A_42, %broadcast_in_dim3A_43 : vector<16xi1>, vector<16xi32>
    %reduce_sum3A_45 = arith.constant true
    %reduce_sum3A_46 = vector.broadcast %reduce_sum3A_45 : i1 to vector<16xi1>
    %reduce_sum3A_47 = tpu.scan <sum>, %select_n3A_44 masked %reduce_sum3A_46 : vector<16xi32>, vector<16xi1> -> vector<16xi32>
    %reduce_sum3A_48 = vector.extract %reduce_sum3A_47[15] : i32 from vector<16xi32>
    %add3A_49 = arith.addi %parallel_loop3A_27, %reduce_sum3A_48 : i32
    %broadcast_in_dim3A_50 = arith.constant 1.000000e+09 : f32
    %broadcast_in_dim3A_51 = vector.broadcast %broadcast_in_dim3A_50 : f32 to vector<16xf32>
    %add3A_52 = arith.constant 0 : i32
    %add3A_53 = arith.addi %add3A_49, %add3A_52 : i32
    %swap3A_54 = arith.index_cast %add3A_53 : i32 to index
    %swap3A_55 = tpu.vector_load %arg11[%swap3A_54] {strides = array<i32>} : memref<3456xf32, #tpu.memory_space<vmem>>, vector<16xf32>,
    tpu.vector_store %arg11[%swap3A_54], %broadcast_in_dim3A_51 {strides = array<i32>} : memref<3456xf32, #tpu.memory_space<vmem>>, vector<16xf32>,
    %add3A_56 = arith.constant 0 : i32
    %add3A_57 = arith.addi %add3A_49, %add3A_56 : i32
    %swap3A_58 = arith.index_cast %add3A_57 : i32 to index
    %swap3A_59 = tpu.vector_load %arg12[%swap3A_58] {strides = array<i32>} : memref<3456xf32, #tpu.memory_space<vmem>>, vector<16xf32>,
    tpu.vector_store %arg12[%swap3A_58], %broadcast_in_dim3A_51 {strides = array<i32>} : memref<3456xf32, #tpu.memory_space<vmem>>, vector<16xf32>,
    %add3A_60 = arith.constant 16 : i32
    %add3A_61 = arith.addi %add3A_49, %add3A_60 : i32
    %swap3A_62 = arith.index_cast %add3A_61 : i32 to index
    %swap3A_63 = tpu.vector_load %arg11[%swap3A_62] {strides = array<i32>} : memref<3456xf32, #tpu.memory_space<vmem>>, vector<16xf32>,
    tpu.vector_store %arg11[%swap3A_62], %broadcast_in_dim3A_51 {strides = array<i32>} : memref<3456xf32, #tpu.memory_space<vmem>>, vector<16xf32>,
    %add3A_64 = arith.constant 16 : i32
    %add3A_65 = arith.addi %add3A_49, %add3A_64 : i32
    %swap3A_66 = arith.index_cast %add3A_65 : i32 to index
    %swap3A_67 = tpu.vector_load %arg12[%swap3A_66] {strides = array<i32>} : memref<3456xf32, #tpu.memory_space<vmem>>, vector<16xf32>,
    tpu.vector_store %arg12[%swap3A_66], %broadcast_in_dim3A_51 {strides = array<i32>} : memref<3456xf32, #tpu.memory_space<vmem>>, vector<16xf32>,
    %add3A_68 = arith.constant 32 : i32
    %add3A_69 = arith.addi %add3A_49, %add3A_68 : i32
    %swap3A_70 = arith.index_cast %add3A_69 : i32 to index
    %swap3A_71 = tpu.vector_load %arg11[%swap3A_70] {strides = array<i32>} : memref<3456xf32, #tpu.memory_space<vmem>>, vector<16xf32>,
    tpu.vector_store %arg11[%swap3A_70], %broadcast_in_dim3A_51 {strides = array<i32>} : memref<3456xf32, #tpu.memory_space<vmem>>, vector<16xf32>,
    %add3A_72 = arith.constant 32 : i32
    %add3A_73 = arith.addi %add3A_49, %add3A_72 : i32
    %swap3A_74 = arith.index_cast %add3A_73 : i32 to index
    %swap3A_75 = tpu.vector_load %arg12[%swap3A_74] {strides = array<i32>} : memref<3456xf32, #tpu.memory_space<vmem>>, vector<16xf32>,
    tpu.vector_store %arg12[%swap3A_74], %broadcast_in_dim3A_51 {strides = array<i32>} : memref<3456xf32, #tpu.memory_space<vmem>>, vector<16xf32>,
    %add3A_76 = arith.constant 48 : i32
    %add3A_77 = arith.addi %add3A_49, %add3A_76 : i32
    %swap3A_78 = arith.index_cast %add3A_77 : i32 to index
    %swap3A_79 = tpu.vector_load %arg11[%swap3A_78] {strides = array<i32>} : memref<3456xf32, #tpu.memory_space<vmem>>, vector<16xf32>,
    tpu.vector_store %arg11[%swap3A_78], %broadcast_in_dim3A_51 {strides = array<i32>} : memref<3456xf32, #tpu.memory_space<vmem>>, vector<16xf32>,
    %add3A_80 = arith.constant 48 : i32
    %add3A_81 = arith.addi %add3A_49, %add3A_80 : i32
    %swap3A_82 = arith.index_cast %add3A_81 : i32 to index
    %swap3A_83 = tpu.vector_load %arg12[%swap3A_82] {strides = array<i32>} : memref<3456xf32, #tpu.memory_space<vmem>>, vector<16xf32>,
    tpu.vector_store %arg12[%swap3A_82], %broadcast_in_dim3A_51 {strides = array<i32>} : memref<3456xf32, #tpu.memory_space<vmem>>, vector<16xf32>,
    %add3A_84 = arith.constant 64 : i32
    %add3A_85 = arith.addi %add3A_49, %add3A_84 : i32
    %swap3A_86 = arith.index_cast %add3A_85 : i32 to index
    %swap3A_87 = tpu.vector_load %arg11[%swap3A_86] {strides = array<i32>} : memref<3456xf32, #tpu.memory_space<vmem>>, vector<16xf32>,
    tpu.vector_store %arg11[%swap3A_86], %broadcast_in_dim3A_51 {strides = array<i32>} : memref<3456xf32, #tpu.memory_space<vmem>>, vector<16xf32>,
    %add3A_88 = arith.constant 64 : i32
    %add3A_89 = arith.addi %add3A_49, %add3A_88 : i32
    %swap3A_90 = arith.index_cast %add3A_89 : i32 to index
    %swap3A_91 = tpu.vector_load %arg12[%swap3A_90] {strides = array<i32>} : memref<3456xf32, #tpu.memory_space<vmem>>, vector<16xf32>,
    tpu.vector_store %arg12[%swap3A_90], %broadcast_in_dim3A_51 {strides = array<i32>} : memref<3456xf32, #tpu.memory_space<vmem>>, vector<16xf32>,
    %add3A_92 = arith.constant 80 : i32
    %add3A_93 = arith.addi %add3A_49, %add3A_92 : i32
    %swap3A_94 = arith.index_cast %add3A_93 : i32 to index
    %swap3A_95 = tpu.vector_load %arg11[%swap3A_94] {strides = array<i32>} : memref<3456xf32, #tpu.memory_space<vmem>>, vector<16xf32>,
    tpu.vector_store %arg11[%swap3A_94], %broadcast_in_dim3A_51 {strides = array<i32>} : memref<3456xf32, #tpu.memory_space<vmem>>, vector<16xf32>,
    %add3A_96 = arith.constant 80 : i32
    %add3A_97 = arith.addi %add3A_49, %add3A_96 : i32
    %swap3A_98 = arith.index_cast %add3A_97 : i32 to index
    %swap3A_99 = tpu.vector_load %arg12[%swap3A_98] {strides = array<i32>} : memref<3456xf32, #tpu.memory_space<vmem>>, vector<16xf32>,
    tpu.vector_store %arg12[%swap3A_98], %broadcast_in_dim3A_51 {strides = array<i32>} : memref<3456xf32, #tpu.memory_space<vmem>>, vector<16xf32>,
    %add3A_100 = arith.constant 96 : i32
    %add3A_101 = arith.addi %add3A_49, %add3A_100 : i32
    %swap3A_102 = arith.index_cast %add3A_101 : i32 to index
    %swap3A_103 = tpu.vector_load %arg11[%swap3A_102] {strides = array<i32>} : memref<3456xf32, #tpu.memory_space<vmem>>, vector<16xf32>,
    tpu.vector_store %arg11[%swap3A_102], %broadcast_in_dim3A_51 {strides = array<i32>} : memref<3456xf32, #tpu.memory_space<vmem>>, vector<16xf32>,
    %add3A_104 = arith.constant 96 : i32
    %add3A_105 = arith.addi %add3A_49, %add3A_104 : i32
    %swap3A_106 = arith.index_cast %add3A_105 : i32 to index
    %swap3A_107 = tpu.vector_load %arg12[%swap3A_106] {strides = array<i32>} : memref<3456xf32, #tpu.memory_space<vmem>>, vector<16xf32>,
    tpu.vector_store %arg12[%swap3A_106], %broadcast_in_dim3A_51 {strides = array<i32>} : memref<3456xf32, #tpu.memory_space<vmem>>, vector<16xf32>,
    %add3A_108 = arith.constant 112 : i32
    %add3A_109 = arith.addi %add3A_49, %add3A_108 : i32
    %swap3A_110 = arith.index_cast %add3A_109 : i32 to index
    %swap3A_111 = tpu.vector_load %arg11[%swap3A_110] {strides = array<i32>} : memref<3456xf32, #tpu.memory_space<vmem>>, vector<16xf32>,
    tpu.vector_store %arg11[%swap3A_110], %broadcast_in_dim3A_51 {strides = array<i32>} : memref<3456xf32, #tpu.memory_space<vmem>>, vector<16xf32>,
    %add3A_112 = arith.constant 112 : i32
    %add3A_113 = arith.addi %add3A_49, %add3A_112 : i32
    %swap3A_114 = arith.index_cast %add3A_113 : i32 to index
    %swap3A_115 = tpu.vector_load %arg12[%swap3A_114] {strides = array<i32>} : memref<3456xf32, #tpu.memory_space<vmem>>, vector<16xf32>,
    tpu.vector_store %arg12[%swap3A_114], %broadcast_in_dim3A_51 {strides = array<i32>} : memref<3456xf32, #tpu.memory_space<vmem>>, vector<16xf32>,
    %add3A_116 = arith.constant 128 : i32
    %add3A_117 = arith.addi %add3A_49, %add3A_116 : i32
    %swap3A_118 = arith.index_cast %add3A_117 : i32 to index
    %swap3A_119 = tpu.vector_load %arg11[%swap3A_118] {strides = array<i32>} : memref<3456xf32, #tpu.memory_space<vmem>>, vector<16xf32>,
    tpu.vector_store %arg11[%swap3A_118], %broadcast_in_dim3A_51 {strides = array<i32>} : memref<3456xf32, #tpu.memory_space<vmem>>, vector<16xf32>,
    %add3A_120 = arith.constant 128 : i32
    %add3A_121 = arith.addi %add3A_49, %add3A_120 : i32
    %swap3A_122 = arith.index_cast %add3A_121 : i32 to index
    %swap3A_123 = tpu.vector_load %arg12[%swap3A_122] {strides = array<i32>} : memref<3456xf32, #tpu.memory_space<vmem>>, vector<16xf32>,
    tpu.vector_store %arg12[%swap3A_122], %broadcast_in_dim3A_51 {strides = array<i32>} : memref<3456xf32, #tpu.memory_space<vmem>>, vector<16xf32>,
    %add3A_124 = arith.constant 144 : i32
    %add3A_125 = arith.addi %add3A_49, %add3A_124 : i32
    %swap3A_126 = arith.index_cast %add3A_125 : i32 to index
    %swap3A_127 = tpu.vector_load %arg11[%swap3A_126] {strides = array<i32>} : memref<3456xf32, #tpu.memory_space<vmem>>, vector<16xf32>,
    tpu.vector_store %arg11[%swap3A_126], %broadcast_in_dim3A_51 {strides = array<i32>} : memref<3456xf32, #tpu.memory_space<vmem>>, vector<16xf32>,
    %add3A_128 = arith.constant 144 : i32
    %add3A_129 = arith.addi %add3A_49, %add3A_128 : i32
    %swap3A_130 = arith.index_cast %add3A_129 : i32 to index
    %swap3A_131 = tpu.vector_load %arg12[%swap3A_130] {strides = array<i32>} : memref<3456xf32, #tpu.memory_space<vmem>>, vector<16xf32>,
    tpu.vector_store %arg12[%swap3A_130], %broadcast_in_dim3A_51 {strides = array<i32>} : memref<3456xf32, #tpu.memory_space<vmem>>, vector<16xf32>,
    %add3A_132 = arith.constant 160 : i32
    %add3A_133 = arith.addi %add3A_49, %add3A_132 : i32
    %swap3A_134 = arith.index_cast %add3A_133 : i32 to index
    %swap3A_135 = tpu.vector_load %arg11[%swap3A_134] {strides = array<i32>} : memref<3456xf32, #tpu.memory_space<vmem>>, vector<16xf32>,
    tpu.vector_store %arg11[%swap3A_134], %broadcast_in_dim3A_51 {strides = array<i32>} : memref<3456xf32, #tpu.memory_space<vmem>>, vector<16xf32>,
    %add3A_136 = arith.constant 160 : i32
    %add3A_137 = arith.addi %add3A_49, %add3A_136 : i32
    %swap3A_138 = arith.index_cast %add3A_137 : i32 to index
    %swap3A_139 = tpu.vector_load %arg12[%swap3A_138] {strides = array<i32>} : memref<3456xf32, #tpu.memory_space<vmem>>, vector<16xf32>,
    tpu.vector_store %arg12[%swap3A_138], %broadcast_in_dim3A_51 {strides = array<i32>} : memref<3456xf32, #tpu.memory_space<vmem>>, vector<16xf32>,
    %add3A_140 = arith.constant 176 : i32
    %add3A_141 = arith.addi %add3A_49, %add3A_140 : i32
    %swap3A_142 = arith.index_cast %add3A_141 : i32 to index
    %swap3A_143 = tpu.vector_load %arg11[%swap3A_142] {strides = array<i32>} : memref<3456xf32, #tpu.memory_space<vmem>>, vector<16xf32>,
    tpu.vector_store %arg11[%swap3A_142], %broadcast_in_dim3A_51 {strides = array<i32>} : memref<3456xf32, #tpu.memory_space<vmem>>, vector<16xf32>,
    %add3A_144 = arith.constant 176 : i32
    %add3A_145 = arith.addi %add3A_49, %add3A_144 : i32
    %swap3A_146 = arith.index_cast %add3A_145 : i32 to index
    %swap3A_147 = tpu.vector_load %arg12[%swap3A_146] {strides = array<i32>} : memref<3456xf32, #tpu.memory_space<vmem>>, vector<16xf32>,
    tpu.vector_store %arg12[%swap3A_146], %broadcast_in_dim3A_51 {strides = array<i32>} : memref<3456xf32, #tpu.memory_space<vmem>>, vector<16xf32>,
    %add3A_148 = arith.constant 192 : i32
    %add3A_149 = arith.addi %add3A_49, %add3A_148 : i32
    %swap3A_150 = arith.index_cast %add3A_149 : i32 to index
    %swap3A_151 = tpu.vector_load %arg11[%swap3A_150] {strides = array<i32>} : memref<3456xf32, #tpu.memory_space<vmem>>, vector<16xf32>,
    tpu.vector_store %arg11[%swap3A_150], %broadcast_in_dim3A_51 {strides = array<i32>} : memref<3456xf32, #tpu.memory_space<vmem>>, vector<16xf32>,
    %add3A_152 = arith.constant 192 : i32
    %add3A_153 = arith.addi %add3A_49, %add3A_152 : i32
    %swap3A_154 = arith.index_cast %add3A_153 : i32 to index
    %swap3A_155 = tpu.vector_load %arg12[%swap3A_154] {strides = array<i32>} : memref<3456xf32, #tpu.memory_space<vmem>>, vector<16xf32>,
    tpu.vector_store %arg12[%swap3A_154], %broadcast_in_dim3A_51 {strides = array<i32>} : memref<3456xf32, #tpu.memory_space<vmem>>, vector<16xf32>,
    %add3A_156 = arith.constant 208 : i32
    %add3A_157 = arith.addi %add3A_49, %add3A_156 : i32
    %swap3A_158 = arith.index_cast %add3A_157 : i32 to index
    %swap3A_159 = tpu.vector_load %arg11[%swap3A_158] {strides = array<i32>} : memref<3456xf32, #tpu.memory_space<vmem>>, vector<16xf32>,
    tpu.vector_store %arg11[%swap3A_158], %broadcast_in_dim3A_51 {strides = array<i32>} : memref<3456xf32, #tpu.memory_space<vmem>>, vector<16xf32>,
    %add3A_160 = arith.constant 208 : i32
    %add3A_161 = arith.addi %add3A_49, %add3A_160 : i32
    %swap3A_162 = arith.index_cast %add3A_161 : i32 to index
    %swap3A_163 = tpu.vector_load %arg12[%swap3A_162] {strides = array<i32>} : memref<3456xf32, #tpu.memory_space<vmem>>, vector<16xf32>,
    tpu.vector_store %arg12[%swap3A_162], %broadcast_in_dim3A_51 {strides = array<i32>} : memref<3456xf32, #tpu.memory_space<vmem>>, vector<16xf32>,
    %add3A_164 = arith.constant 224 : i32
    %add3A_165 = arith.addi %add3A_49, %add3A_164 : i32
    %swap3A_166 = arith.index_cast %add3A_165 : i32 to index
    %swap3A_167 = tpu.vector_load %arg11[%swap3A_166] {strides = array<i32>} : memref<3456xf32, #tpu.memory_space<vmem>>, vector<16xf32>,
    tpu.vector_store %arg11[%swap3A_166], %broadcast_in_dim3A_51 {strides = array<i32>} : memref<3456xf32, #tpu.memory_space<vmem>>, vector<16xf32>,
    %add3A_168 = arith.constant 224 : i32
    %add3A_169 = arith.addi %add3A_49, %add3A_168 : i32
    %swap3A_170 = arith.index_cast %add3A_169 : i32 to index
    %swap3A_171 = tpu.vector_load %arg12[%swap3A_170] {strides = array<i32>} : memref<3456xf32, #tpu.memory_space<vmem>>, vector<16xf32>,
    tpu.vector_store %arg12[%swap3A_170], %broadcast_in_dim3A_51 {strides = array<i32>} : memref<3456xf32, #tpu.memory_space<vmem>>, vector<16xf32>,
    %add3A_172 = arith.constant 240 : i32
    %add3A_173 = arith.addi %add3A_49, %add3A_172 : i32
    %swap3A_174 = arith.index_cast %add3A_173 : i32 to index
    %swap3A_175 = tpu.vector_load %arg11[%swap3A_174] {strides = array<i32>} : memref<3456xf32, #tpu.memory_space<vmem>>, vector<16xf32>,
    tpu.vector_store %arg11[%swap3A_174], %broadcast_in_dim3A_51 {strides = array<i32>} : memref<3456xf32, #tpu.memory_space<vmem>>, vector<16xf32>,
    %add3A_176 = arith.constant 240 : i32
    %add3A_177 = arith.addi %add3A_49, %add3A_176 : i32
    %swap3A_178 = arith.index_cast %add3A_177 : i32 to index
    %swap3A_179 = tpu.vector_load %arg12[%swap3A_178] {strides = array<i32>} : memref<3456xf32, #tpu.memory_space<vmem>>, vector<16xf32>,
    tpu.vector_store %arg12[%swap3A_178], %broadcast_in_dim3A_51 {strides = array<i32>} : memref<3456xf32, #tpu.memory_space<vmem>>, vector<16xf32>,
    %add3A_180 = arith.constant 256 : i32
    %add3A_181 = arith.addi %add3A_49, %add3A_180 : i32
    %swap3A_182 = arith.index_cast %add3A_181 : i32 to index
    %swap3A_183 = tpu.vector_load %arg11[%swap3A_182] {strides = array<i32>} : memref<3456xf32, #tpu.memory_space<vmem>>, vector<16xf32>,
    tpu.vector_store %arg11[%swap3A_182], %broadcast_in_dim3A_51 {strides = array<i32>} : memref<3456xf32, #tpu.memory_space<vmem>>, vector<16xf32>,
    %add3A_184 = arith.constant 256 : i32
    %add3A_185 = arith.addi %add3A_49, %add3A_184 : i32
    %swap3A_186 = arith.index_cast %add3A_185 : i32 to index
    %swap3A_187 = tpu.vector_load %arg12[%swap3A_186] {strides = array<i32>} : memref<3456xf32, #tpu.memory_space<vmem>>, vector<16xf32>,
    tpu.vector_store %arg12[%swap3A_186], %broadcast_in_dim3A_51 {strides = array<i32>} : memref<3456xf32, #tpu.memory_space<vmem>>, vector<16xf32>,
    %add3A_188 = arith.constant 272 : i32
    %add3A_189 = arith.addi %add3A_49, %add3A_188 : i32
    %swap3A_190 = arith.index_cast %add3A_189 : i32 to index
    %swap3A_191 = tpu.vector_load %arg11[%swap3A_190] {strides = array<i32>} : memref<3456xf32, #tpu.memory_space<vmem>>, vector<16xf32>,
    tpu.vector_store %arg11[%swap3A_190], %broadcast_in_dim3A_51 {strides = array<i32>} : memref<3456xf32, #tpu.memory_space<vmem>>, vector<16xf32>,
    %add3A_192 = arith.constant 272 : i32
    %add3A_193 = arith.addi %add3A_49, %add3A_192 : i32
    %swap3A_194 = arith.index_cast %add3A_193 : i32 to index
    %swap3A_195 = tpu.vector_load %arg12[%swap3A_194] {strides = array<i32>} : memref<3456xf32, #tpu.memory_space<vmem>>, vector<16xf32>,
    tpu.vector_store %arg12[%swap3A_194], %broadcast_in_dim3A_51 {strides = array<i32>} : memref<3456xf32, #tpu.memory_space<vmem>>, vector<16xf32>,
    %add3A_196 = arith.constant 288 : i32
    %add3A_197 = arith.addi %add3A_49, %add3A_196 : i32
    %swap3A_198 = arith.index_cast %add3A_197 : i32 to index
    %swap3A_199 = tpu.vector_load %arg11[%swap3A_198] {strides = array<i32>} : memref<3456xf32, #tpu.memory_space<vmem>>, vector<16xf32>,
    tpu.vector_store %arg11[%swap3A_198], %broadcast_in_dim3A_51 {strides = array<i32>} : memref<3456xf32, #tpu.memory_space<vmem>>, vector<16xf32>,
    %add3A_200 = arith.constant 288 : i32
    %add3A_201 = arith.addi %add3A_49, %add3A_200 : i32
    %swap3A_202 = arith.index_cast %add3A_201 : i32 to index
    %swap3A_203 = tpu.vector_load %arg12[%swap3A_202] {strides = array<i32>} : memref<3456xf32, #tpu.memory_space<vmem>>, vector<16xf32>,
    tpu.vector_store %arg12[%swap3A_202], %broadcast_in_dim3A_51 {strides = array<i32>} : memref<3456xf32, #tpu.memory_space<vmem>>, vector<16xf32>,
    %add3A_204 = arith.constant 304 : i32
    %add3A_205 = arith.addi %add3A_49, %add3A_204 : i32
    %swap3A_206 = arith.index_cast %add3A_205 : i32 to index
    %swap3A_207 = tpu.vector_load %arg11[%swap3A_206] {strides = array<i32>} : memref<3456xf32, #tpu.memory_space<vmem>>, vector<16xf32>,
    tpu.vector_store %arg11[%swap3A_206], %broadcast_in_dim3A_51 {strides = array<i32>} : memref<3456xf32, #tpu.memory_space<vmem>>, vector<16xf32>,
    %add3A_208 = arith.constant 304 : i32
    %add3A_209 = arith.addi %add3A_49, %add3A_208 : i32
    %swap3A_210 = arith.index_cast %add3A_209 : i32 to index
    %swap3A_211 = tpu.vector_load %arg12[%swap3A_210] {strides = array<i32>} : memref<3456xf32, #tpu.memory_space<vmem>>, vector<16xf32>,
    tpu.vector_store %arg12[%swap3A_210], %broadcast_in_dim3A_51 {strides = array<i32>} : memref<3456xf32, #tpu.memory_space<vmem>>, vector<16xf32>,
    %add3A_212 = arith.constant 320 : i32
    %add3A_213 = arith.addi %add3A_49, %add3A_212 : i32
    %swap3A_214 = arith.index_cast %add3A_213 : i32 to index
    %swap3A_215 = tpu.vector_load %arg11[%swap3A_214] {strides = array<i32>} : memref<3456xf32, #tpu.memory_space<vmem>>, vector<16xf32>,
    tpu.vector_store %arg11[%swap3A_214], %broadcast_in_dim3A_51 {strides = array<i32>} : memref<3456xf32, #tpu.memory_space<vmem>>, vector<16xf32>,
    %add3A_216 = arith.constant 320 : i32
    %add3A_217 = arith.addi %add3A_49, %add3A_216 : i32
    %swap3A_218 = arith.index_cast %add3A_217 : i32 to index
    %swap3A_219 = tpu.vector_load %arg12[%swap3A_218] {strides = array<i32>} : memref<3456xf32, #tpu.memory_space<vmem>>, vector<16xf32>,
    tpu.vector_store %arg12[%swap3A_218], %broadcast_in_dim3A_51 {strides = array<i32>} : memref<3456xf32, #tpu.memory_space<vmem>>, vector<16xf32>,
    %add3A_220 = arith.constant 336 : i32
    %add3A_221 = arith.addi %add3A_49, %add3A_220 : i32
    %swap3A_222 = arith.index_cast %add3A_221 : i32 to index
    %swap3A_223 = tpu.vector_load %arg11[%swap3A_222] {strides = array<i32>} : memref<3456xf32, #tpu.memory_space<vmem>>, vector<16xf32>,
    tpu.vector_store %arg11[%swap3A_222], %broadcast_in_dim3A_51 {strides = array<i32>} : memref<3456xf32, #tpu.memory_space<vmem>>, vector<16xf32>,
    %add3A_224 = arith.constant 336 : i32
    %add3A_225 = arith.addi %add3A_49, %add3A_224 : i32
    %swap3A_226 = arith.index_cast %add3A_225 : i32 to index
    %swap3A_227 = tpu.vector_load %arg12[%swap3A_226] {strides = array<i32>} : memref<3456xf32, #tpu.memory_space<vmem>>, vector<16xf32>,
    tpu.vector_store %arg12[%swap3A_226], %broadcast_in_dim3A_51 {strides = array<i32>} : memref<3456xf32, #tpu.memory_space<vmem>>, vector<16xf32>,
    %add3A_228 = arith.constant 352 : i32
    %add3A_229 = arith.addi %add3A_49, %add3A_228 : i32
    %swap3A_230 = arith.index_cast %add3A_229 : i32 to index
    %swap3A_231 = tpu.vector_load %arg11[%swap3A_230] {strides = array<i32>} : memref<3456xf32, #tpu.memory_space<vmem>>, vector<16xf32>,
    tpu.vector_store %arg11[%swap3A_230], %broadcast_in_dim3A_51 {strides = array<i32>} : memref<3456xf32, #tpu.memory_space<vmem>>, vector<16xf32>,
    %add3A_232 = arith.constant 352 : i32
    %add3A_233 = arith.addi %add3A_49, %add3A_232 : i32
    %swap3A_234 = arith.index_cast %add3A_233 : i32 to index
    %swap3A_235 = tpu.vector_load %arg12[%swap3A_234] {strides = array<i32>} : memref<3456xf32, #tpu.memory_space<vmem>>, vector<16xf32>,
    tpu.vector_store %arg12[%swap3A_234], %broadcast_in_dim3A_51 {strides = array<i32>} : memref<3456xf32, #tpu.memory_space<vmem>>, vector<16xf32>,
    %add3A_236 = arith.constant 368 : i32
    %add3A_237 = arith.addi %add3A_49, %add3A_236 : i32
    %swap3A_238 = arith.index_cast %add3A_237 : i32 to index
    %swap3A_239 = tpu.vector_load %arg11[%swap3A_238] {strides = array<i32>} : memref<3456xf32, #tpu.memory_space<vmem>>, vector<16xf32>,
    tpu.vector_store %arg11[%swap3A_238], %broadcast_in_dim3A_51 {strides = array<i32>} : memref<3456xf32, #tpu.memory_space<vmem>>, vector<16xf32>,
    %add3A_240 = arith.constant 368 : i32
    %add3A_241 = arith.addi %add3A_49, %add3A_240 : i32
    %swap3A_242 = arith.index_cast %add3A_241 : i32 to index
    %swap3A_243 = tpu.vector_load %arg12[%swap3A_242] {strides = array<i32>} : memref<3456xf32, #tpu.memory_space<vmem>>, vector<16xf32>,
    tpu.vector_store %arg12[%swap3A_242], %broadcast_in_dim3A_51 {strides = array<i32>} : memref<3456xf32, #tpu.memory_space<vmem>>, vector<16xf32>,
    %run_scoped3A = arith.constant 0 : i32
    "tpu.region"() ({
      %run_scoped3A_250 = tpu.sem_alloc : memref<!tpu.dma_semaphore, #tpu.memory_space<semaphore_mem>>
      %dma_start3A = arith.constant 0 : i32
      %dma_start3A_251 = tpu.memref_slice %arg5[%add3A, %run_scoped3A, %dma_start3A] : memref<32x1x3456xf32, #tpu.memory_space<hbm>> -> memref<1x1x3456xf32, #tpu.memory_space<hbm>>
      %dma_start3A_252 = tpu.memref_squeeze %dma_start3A_251 : memref<1x1x3456xf32, #tpu.memory_space<hbm>> -> memref<3456xf32, #tpu.memory_space<hbm>>
      %dma_start3A_253 = arith.constant 0 : i32
      %dma_start3A_254 = tpu.memref_slice %arg5[%add3A, %run_scoped3A, %dma_start3A_253] : memref<32x1x3456xf32, #tpu.memory_space<hbm>> -> memref<1x1x3456xf32, #tpu.memory_space<hbm>>
      %dma_start3A_255 = tpu.memref_squeeze %dma_start3A_254 : memref<1x1x3456xf32, #tpu.memory_space<hbm>> -> memref<3456xf32, #tpu.memory_space<hbm>>
      tpu.enqueue_dma source(%arg11 : memref<3456xf32, #tpu.memory_space<vmem>>) target(%dma_start3A_255 : memref<3456xf32, #tpu.memory_space<hbm>>) target_semaphore(%run_scoped3A_250 : memref<!tpu.dma_semaphore, #tpu.memory_space<semaphore_mem>>)
      %dma_wait3A = arith.constant 0 : i32
      %dma_wait3A_256 = tpu.memref_slice %arg5[%add3A, %run_scoped3A, %dma_wait3A] : memref<32x1x3456xf32, #tpu.memory_space<hbm>> -> memref<1x1x3456xf32, #tpu.memory_space<hbm>>
      %dma_wait3A_257 = tpu.memref_squeeze %dma_wait3A_256 : memref<1x1x3456xf32, #tpu.memory_space<hbm>> -> memref<3456xf32, #tpu.memory_space<hbm>>
      %dma_wait3A_258 = arith.constant 0 : i32
      %dma_wait3A_259 = tpu.memref_slice %arg5[%add3A, %run_scoped3A, %dma_wait3A_258] : memref<32x1x3456xf32, #tpu.memory_space<hbm>> -> memref<1x1x3456xf32, #tpu.memory_space<hbm>>
      %dma_wait3A_260 = tpu.memref_squeeze %dma_wait3A_259 : memref<1x1x3456xf32, #tpu.memory_space<hbm>> -> memref<3456xf32, #tpu.memory_space<hbm>>
      tpu.wait_dma2 semaphore(%run_scoped3A_250 : memref<!tpu.dma_semaphore, #tpu.memory_space<semaphore_mem>>) src(%arg11 : memref<3456xf32, #tpu.memory_space<vmem>>) dst(%dma_wait3A_260 : memref<3456xf32, #tpu.memory_space<hbm>>)
      tpu.yield
    }) : () -> ()
    %run_scoped3A_244 = arith.constant 0 : i32
    "tpu.region"() ({
      %run_scoped3A_250 = tpu.sem_alloc : memref<!tpu.dma_semaphore, #tpu.memory_space<semaphore_mem>>
      %dma_start3A = arith.constant 0 : i32
      %dma_start3A_251 = tpu.memref_slice %arg6[%add3A, %run_scoped3A_244, %dma_start3A] : memref<32x1x3456xf32, #tpu.memory_space<hbm>> -> memref<1x1x3456xf32, #tpu.memory_space<hbm>>
      %dma_start3A_252 = tpu.memref_squeeze %dma_start3A_251 : memref<1x1x3456xf32, #tpu.memory_space<hbm>> -> memref<3456xf32, #tpu.memory_space<hbm>>
      %dma_start3A_253 = arith.constant 0 : i32
      %dma_start3A_254 = tpu.memref_slice %arg6[%add3A, %run_scoped3A_244, %dma_start3A_253] : memref<32x1x3456xf32, #tpu.memory_space<hbm>> -> memref<1x1x3456xf32, #tpu.memory_space<hbm>>
      %dma_start3A_255 = tpu.memref_squeeze %dma_start3A_254 : memref<1x1x3456xf32, #tpu.memory_space<hbm>> -> memref<3456xf32, #tpu.memory_space<hbm>>
      tpu.enqueue_dma source(%arg12 : memref<3456xf32, #tpu.memory_space<vmem>>) target(%dma_start3A_255 : memref<3456xf32, #tpu.memory_space<hbm>>) target_semaphore(%run_scoped3A_250 : memref<!tpu.dma_semaphore, #tpu.memory_space<semaphore_mem>>)
      %dma_wait3A = arith.constant 0 : i32
      %dma_wait3A_256 = tpu.memref_slice %arg6[%add3A, %run_scoped3A_244, %dma_wait3A] : memref<32x1x3456xf32, #tpu.memory_space<hbm>> -> memref<1x1x3456xf32, #tpu.memory_space<hbm>>
      %dma_wait3A_257 = tpu.memref_squeeze %dma_wait3A_256 : memref<1x1x3456xf32, #tpu.memory_space<hbm>> -> memref<3456xf32, #tpu.memory_space<hbm>>
      %dma_wait3A_258 = arith.constant 0 : i32
      %dma_wait3A_259 = tpu.memref_slice %arg6[%add3A, %run_scoped3A_244, %dma_wait3A_258] : memref<32x1x3456xf32, #tpu.memory_space<hbm>> -> memref<1x1x3456xf32, #tpu.memory_space<hbm>>
      %dma_wait3A_260 = tpu.memref_squeeze %dma_wait3A_259 : memref<1x1x3456xf32, #tpu.memory_space<hbm>> -> memref<3456xf32, #tpu.memory_space<hbm>>
      tpu.wait_dma2 semaphore(%run_scoped3A_250 : memref<!tpu.dma_semaphore, #tpu.memory_space<semaphore_mem>>) src(%arg12 : memref<3456xf32, #tpu.memory_space<vmem>>) dst(%dma_wait3A_260 : memref<3456xf32, #tpu.memory_space<hbm>>)
      tpu.yield
    }) : () -> ()
    %broadcast_in_dim3A_245 = vector.broadcast %add3A_49 : i32 to vector<16xi32>
    %swap3A_246 = arith.constant 0 : index
    %swap3A_247 = tpu.vector_load %arg13[%swap3A_246] {strides = array<i32>} : memref<16xi32, #tpu.memory_space<vmem>>, vector<16xi32>,
    tpu.vector_store %arg13[%swap3A_246], %broadcast_in_dim3A_245 {strides = array<i32>} : memref<16xi32, #tpu.memory_space<vmem>>, vector<16xi32>,
    %mul3A_248 = arith.constant 16 : i32
    %mul3A_249 = arith.muli %add3A, %mul3A_248 : i32
    "tpu.region"() ({
      %run_scoped3A_250 = tpu.sem_alloc : memref<!tpu.dma_semaphore, #tpu.memory_space<semaphore_mem>>
      %dma_start3A = tpu.memref_slice %arg7[%mul3A_249] : memref<512xi32, #tpu.memory_space<hbm>> -> memref<16xi32, #tpu.memory_space<hbm>>
      %dma_start3A_251 = tpu.memref_slice %arg7[%mul3A_249] : memref<512xi32, #tpu.memory_space<hbm>> -> memref<16xi32, #tpu.memory_space<hbm>>
      tpu.enqueue_dma source(%arg13 : memref<16xi32, #tpu.memory_space<vmem>>) target(%dma_start3A_251 : memref<16xi32, #tpu.memory_space<hbm>>) target_semaphore(%run_scoped3A_250 : memref<!tpu.dma_semaphore, #tpu.memory_space<semaphore_mem>>)
      %dma_wait3A = tpu.memref_slice %arg7[%mul3A_249] : memref<512xi32, #tpu.memory_space<hbm>> -> memref<16xi32, #tpu.memory_space<hbm>>
      %dma_wait3A_252 = tpu.memref_slice %arg7[%mul3A_249] : memref<512xi32, #tpu.memory_space<hbm>> -> memref<16xi32, #tpu.memory_space<hbm>>
      tpu.wait_dma2 semaphore(%run_scoped3A_250 : memref<!tpu.dma_semaphore, #tpu.memory_space<semaphore_mem>>) src(%arg13 : memref<16xi32, #tpu.memory_space<vmem>>) dst(%dma_wait3A_252 : memref<16xi32, #tpu.memory_space<hbm>>)
      tpu.yield
    }) : () -> ()
    return
  }
}

module attributes {stable_mosaic.version = 14 : i64} {
  func.func @_tc_bce_body(%arg0: memref<1xf32, #tpu.memory_space<smem>>, %arg1: memref<128x128xf32, #tpu.memory_space<vmem>>, %arg2: memref<128x128xf32, #tpu.memory_space<vmem>>, %arg3: memref<1x1xf32, #tpu.memory_space<smem>>) attributes {dimension_semantics = [], scalar_prefetch = 0 : i64, scratch_operands = 0 : i64, tpu.core_type = #tpu.core_type<tc>} {
    %get3A = arith.constant 0 : index
    %get3A_0 = arith.constant 0 : index
    %get3A_1 = vector.load %arg1[%get3A, %get3A_0] : memref<128x128xf32, #tpu.memory_space<vmem>>, vector<128x128xf32>
    %sqrt3A = math.sqrt %get3A_1 : vector<128x128xf32>
    %lt3A = arith.constant 8.000000e+00 : f32
    %lt3A_2 = vector.broadcast %lt3A : f32 to vector<128x128xf32>
    %lt3A_3 = arith.cmpf olt, %sqrt3A, %lt3A_2 : vector<128x128xf32>
    %convert_element_type3A = arith.extui %lt3A_3 : vector<128x128xi1> to vector<128x128xi32>
    %convert_element_type3A_4 = arith.sitofp %convert_element_type3A : vector<128x128xi32> to vector<128x128xf32>
    %gt3A = arith.constant 0.000000e+00 : f32
    %gt3A_5 = vector.broadcast %gt3A : f32 to vector<128x128xf32>
    %gt3A_6 = arith.cmpf ogt, %convert_element_type3A_4, %gt3A_5 : vector<128x128xf32>
    %div3A = arith.constant 9.600000e+01 : f32
    %div3A_7 = vector.broadcast %div3A : f32 to vector<128x128xf32>
    %div3A_8 = arith.divf %sqrt3A, %div3A_7 : vector<128x128xf32>
    %mul3A = arith.constant 1.000000e+00 : f32
    %mul3A_9 = vector.broadcast %mul3A : f32 to vector<128x128xf32>
    %mul3A_10 = arith.mulf %mul3A_9, %div3A_8 : vector<128x128xf32>
    %jit3A = arith.constant 8.000000e+00 : f32
    %broadcast_in_dim3A = vector.broadcast %jit3A : f32 to vector<128x128xf32>
    %select_n3A = arith.select %gt3A_6, %broadcast_in_dim3A, %mul3A_10 : vector<128x128xi1>, vector<128x128xf32>
    %get3A_11 = arith.constant 0 : index
    %get3A_12 = arith.constant 0 : index
    %get3A_13 = vector.load %arg2[%get3A_11, %get3A_12] : memref<128x128xf32, #tpu.memory_space<vmem>>, vector<128x128xf32>
    %max3A = arith.constant 0.000000e+00 : f32
    %max3A_14 = vector.broadcast %max3A : f32 to vector<128x128xf32>
    %max3A_15 = arith.maximumf %get3A_13, %max3A_14 : vector<128x128xf32>
    %reduce_max3A = vector.shape_cast %max3A_15 : vector<128x128xf32> to vector<1x128x128xf32>
    %reduce_max3A_16 = arith.constant dense<0xFF800000> : vector<1xf32>
    %reduce_max3A_17 = vector.multi_reduction <maximumf>, %reduce_max3A, %reduce_max3A_16 [1, 2] : vector<1x128x128xf32> to vector<1xf32>
    %reduce_max3A_18 = vector.shape_cast %reduce_max3A_17 : vector<1xf32> to vector<1x1x1xf32>
    %reduce_max3A_19 = vector.extract %reduce_max3A_18[0, 0, 0] : f32 from vector<1x1x1xf32>
    %gt3A_20 = arith.constant 0.000000e+00 : f32
    %gt3A_21 = arith.cmpf ogt, %reduce_max3A_19, %gt3A_20 : f32
    %add3A = arith.constant 9.99999993E-9 : f32
    %add3A_22 = arith.addf %reduce_max3A_19, %add3A : f32
    %div3A_23 = vector.broadcast %add3A_22 : f32 to vector<128x128xf32>
    %div3A_24 = arith.divf %max3A_15, %div3A_23 : vector<128x128xf32>
    %broadcast_in_dim3A_25 = arith.constant 0.000000e+00 : f32
    %broadcast_in_dim3A_26 = vector.broadcast %broadcast_in_dim3A_25 : f32 to vector<128x128xf32>
    %select_n3A_27 = arith.select %gt3A_21, %div3A_24, %broadcast_in_dim3A_26 : vector<128x128xf32>
    %jit3A_28 = arith.constant 1.000000e-07 : f32
    %jit3A_29 = arith.constant 0.99999988 : f32
    %max3A_30 = vector.broadcast %jit3A_28 : f32 to vector<128x128xf32>
    %max3A_31 = arith.maximumf %max3A_30, %select_n3A_27 : vector<128x128xf32>
    %min3A = vector.broadcast %jit3A_29 : f32 to vector<128x128xf32>
    %min3A_32 = arith.minimumf %min3A, %max3A_31 : vector<128x128xf32>
    %log3A = math.log %min3A_32 : vector<128x128xf32>
    %mul3A_33 = arith.mulf %convert_element_type3A_4, %log3A : vector<128x128xf32>
    %sub3A = arith.constant 1.000000e+00 : f32
    %sub3A_34 = vector.broadcast %sub3A : f32 to vector<128x128xf32>
    %sub3A_35 = arith.subf %sub3A_34, %convert_element_type3A_4 : vector<128x128xf32>
    %sub3A_36 = arith.constant 1.000000e+00 : f32
    %sub3A_37 = vector.broadcast %sub3A_36 : f32 to vector<128x128xf32>
    %sub3A_38 = arith.subf %sub3A_37, %min3A_32 : vector<128x128xf32>
    %log3A_39 = math.log %sub3A_38 : vector<128x128xf32>
    %mul3A_40 = arith.mulf %sub3A_35, %log3A_39 : vector<128x128xf32>
    %add3A_41 = arith.addf %mul3A_33, %mul3A_40 : vector<128x128xf32>
    %neg3A = arith.constant 0.000000e+00 : f32
    %neg3A_42 = vector.broadcast %neg3A : f32 to vector<128x128xf32>
    %neg3A_43 = arith.subf %neg3A_42, %add3A_41 : vector<128x128xf32>
    %mul3A_44 = arith.mulf %select_n3A, %neg3A_43 : vector<128x128xf32>
    %reduce_sum3A = vector.shape_cast %mul3A_44 : vector<128x128xf32> to vector<1x128x128xf32>
    %reduce_sum3A_45 = arith.constant dense<0.000000e+00> : vector<1xf32>
    %reduce_sum3A_46 = vector.multi_reduction <add>, %reduce_sum3A, %reduce_sum3A_45 [1, 2] : vector<1x128x128xf32> to vector<1xf32>
    %reduce_sum3A_47 = vector.shape_cast %reduce_sum3A_46 : vector<1xf32> to vector<1x1x1xf32>
    %reduce_sum3A_48 = vector.extract %reduce_sum3A_47[0, 0, 0] : f32 from vector<1x1x1xf32>
    %div3A_49 = arith.constant 1.638400e+04 : f32
    %div3A_50 = arith.divf %reduce_sum3A_48, %div3A_49 : f32
    %get3A_51 = arith.constant 0 : index
    %get3A_52 = memref.load %arg0[%get3A_51] : memref<1xf32, #tpu.memory_space<smem>>
    %reduce_sum3A_53 = vector.shape_cast %get3A_13 : vector<128x128xf32> to vector<1x128x128xf32>
    %reduce_sum3A_54 = arith.constant dense<0.000000e+00> : vector<1xf32>
    %reduce_sum3A_55 = vector.multi_reduction <add>, %reduce_sum3A_53, %reduce_sum3A_54 [1, 2] : vector<1x128x128xf32> to vector<1xf32>
    %reduce_sum3A_56 = vector.shape_cast %reduce_sum3A_55 : vector<1xf32> to vector<1x1x1xf32>
    %reduce_sum3A_57 = vector.extract %reduce_sum3A_56[0, 0, 0] : f32 from vector<1x1x1xf32>
    %mul3A_58 = arith.mulf %get3A_52, %get3A_52 : f32
    %div3A_59 = arith.divf %reduce_sum3A_57, %mul3A_58 : f32
    %sub3A_60 = arith.constant 3.000000e+03 : f32
    %sub3A_61 = arith.subf %div3A_59, %sub3A_60 : f32
    %abs3A = math.absf %sub3A_61 : f32
    %mul3A_62 = arith.constant 2.000000e-02 : f32
    %mul3A_63 = arith.mulf %mul3A_62, %abs3A : f32
    %add3A_64 = arith.addf %div3A_50, %mul3A_63 : f32
    %swap3A = arith.constant 0 : index
    %swap3A_65 = arith.constant 0 : index
    %swap3A_66 = memref.load %arg3[%swap3A, %swap3A_65] : memref<1x1xf32, #tpu.memory_space<smem>>
    memref.store %add3A_64, %arg3[%swap3A, %swap3A_65] : memref<1x1xf32, #tpu.memory_space<smem>>
    return
  }
}

module attributes {stable_mosaic.version = 14 : i64} {
  func.func @_tc_body(%arg0: i32, %arg1: memref<1xf32, #tpu.memory_space<smem>>, %arg2: memref<512xi32, #tpu.memory_space<smem>>, %arg3: memref<1x1x3456xf32, #tpu.memory_space<vmem>>, %arg4: memref<1x1x3456xf32, #tpu.memory_space<vmem>>, %arg5: memref<1x1x3456xf32, #tpu.memory_space<vmem>>, %arg6: memref<1x1x3456xf32, #tpu.memory_space<vmem>>, %arg7: memref<8x128xf32, #tpu.memory_space<vmem>>, %arg8: memref<512x1xf32, #tpu.memory_space<vmem>>, %arg9: memref<512x1xf32, #tpu.memory_space<vmem>>) attributes {dimension_semantics = [#tpu.dimension_semantics<arbitrary>], iteration_bounds = array<i64: 16>, scalar_prefetch = 0 : i64, scratch_operands = 2 : i64, tpu.core_type = #tpu.core_type<tc>, window_params = [{transform_indices = @transform_0, window_bounds = array<i64: 1>}, {transform_indices = @transform_1, window_bounds = array<i64: 512>}, {transform_indices = @transform_2, window_bounds = array<i64: 1, 1, 3456>}, {transform_indices = @transform_3, window_bounds = array<i64: 1, 1, 3456>}, {transform_indices = @transform_4, window_bounds = array<i64: 1, 1, 3456>}, {transform_indices = @transform_5, window_bounds = array<i64: 1, 1, 3456>}, {transform_indices = @transform_6, window_bounds = array<i64: 8, 128>}]} {
    %get3A = arith.constant 0 : index
    %get3A_0 = memref.load %arg1[%get3A] : memref<1xf32, #tpu.memory_space<smem>>
    %sub3A = arith.constant 1.000000e+00 : f32
    %sub3A_1 = arith.subf %get3A_0, %sub3A : f32
    %mul3A = arith.constant 5.000000e-01 : f32
    %mul3A_2 = arith.mulf %sub3A_1, %mul3A : f32
    %eq3A = arith.constant 0 : i32
    %eq3A_3 = arith.cmpi eq, %arg0, %eq3A : i32
    %convert_element_type3A = arith.extui %eq3A_3 : i1 to i32
    %cond3A = arith.constant 0 : i32
    %cond3A_4 = arith.cmpi ne, %convert_element_type3A, %cond3A : i32
    scf.if %cond3A_4 {
      %iota3A = tpu.iota {dimensions = array<i32: 0>} : vector<512x1xi32>
      %jit3A_247 = arith.constant 128 : i32
      %eq3A_248 = arith.constant 0 : i32
      %eq3A_249 = arith.cmpi eq, %jit3A_247, %eq3A_248 : i32
      %jit3A_250 = arith.constant 1 : i32
      %select_n3A_251 = arith.select %eq3A_249, %jit3A_250, %jit3A_247 : i32
      %rem3A_252 = vector.broadcast %select_n3A_251 : i32 to vector<512x1xi32>
      %rem3A_253 = arith.remsi %iota3A, %rem3A_252 : vector<512x1xi32>
      %ne3A_254 = arith.constant 0 : i32
      %ne3A_255 = vector.broadcast %ne3A_254 : i32 to vector<512x1xi32>
      %ne3A_256 = arith.cmpi ne, %rem3A_253, %ne3A_255 : vector<512x1xi32>
      %lt3A = arith.constant 0 : i32
      %lt3A_257 = vector.broadcast %lt3A : i32 to vector<512x1xi32>
      %lt3A_258 = arith.cmpi slt, %rem3A_253, %lt3A_257 : vector<512x1xi32>
      %lt3A_259 = arith.constant 0 : i32
      %lt3A_260 = arith.cmpi slt, %select_n3A_251, %lt3A_259 : i32
      %ne3A_261 = vector.broadcast %lt3A_260 : i1 to vector<512x1xi1>
      %ne3A_262 = vector.broadcast %ne3A_261 : vector<512x1xi1> to vector<512x1xi1>
      %ne3A_263 = arith.xori %lt3A_258, %ne3A_262 : vector<512x1xi1>
      %and3A_264 = arith.andi %ne3A_263, %ne3A_256 : vector<512x1xi1>
      %add3A_265 = vector.broadcast %select_n3A_251 : i32 to vector<512x1xi32>
      %add3A_266 = arith.addi %rem3A_253, %add3A_265 : vector<512x1xi32>
      %select_n3A_267 = arith.select %and3A_264, %add3A_266, %rem3A_253 : vector<512x1xi1>, vector<512x1xi32>
      %convert_element_type3A_268 = arith.sitofp %select_n3A_267 : vector<512x1xi32> to vector<512x1xf32>
      %mul3A_269 = vector.broadcast %get3A_0 : f32 to vector<512x1xf32>
      %mul3A_270 = arith.mulf %convert_element_type3A_268, %mul3A_269 : vector<512x1xf32>
      %add3A_271 = vector.broadcast %mul3A_2 : f32 to vector<512x1xf32>
      %add3A_272 = arith.addf %mul3A_270, %add3A_271 : vector<512x1xf32>
      %swap3A_273 = arith.constant 0 : index
      %swap3A_274 = arith.constant 0 : index
      %swap3A_275 = vector.load %arg8[%swap3A_273, %swap3A_274] : memref<512x1xf32, #tpu.memory_space<vmem>>, vector<512x1xf32>
      tpu.vector_store %arg8[%swap3A_273, %swap3A_274], %add3A_272 {strides = array<i32>} : memref<512x1xf32, #tpu.memory_space<vmem>>, vector<512x1xf32>,
      %jit3A_276 = arith.constant 128 : i32
      %div3A_277 = vector.broadcast %jit3A_276 : i32 to vector<512x1xi32>
      %div3A_278 = arith.divsi %iota3A, %div3A_277 : vector<512x1xi32>
      %sign3A_279 = arith.constant 0 : i32
      %sign3A_280 = vector.broadcast %sign3A_279 : i32 to vector<512x1xi32>
      %sign3A_281 = arith.cmpi sgt, %iota3A, %sign3A_280 : vector<512x1xi32>
      %sign3A_282 = arith.extui %sign3A_281 : vector<512x1xi1> to vector<512x1xi32>
      %sign3A_283 = arith.constant 0 : i32
      %sign3A_284 = vector.broadcast %sign3A_283 : i32 to vector<512x1xi32>
      %sign3A_285 = arith.cmpi slt, %iota3A, %sign3A_284 : vector<512x1xi32>
      %sign3A_286 = arith.extui %sign3A_285 : vector<512x1xi1> to vector<512x1xi32>
      %sign3A_287 = arith.subi %sign3A_282, %sign3A_286 : vector<512x1xi32>
      %sign3A_288 = arith.constant 0 : i32
      %sign3A_289 = arith.cmpi sgt, %jit3A_276, %sign3A_288 : i32
      %sign3A_290 = arith.extui %sign3A_289 : i1 to i32
      %sign3A_291 = arith.constant 0 : i32
      %sign3A_292 = arith.cmpi slt, %jit3A_276, %sign3A_291 : i32
      %sign3A_293 = arith.extui %sign3A_292 : i1 to i32
      %sign3A_294 = arith.subi %sign3A_290, %sign3A_293 : i32
      %ne3A_295 = vector.broadcast %sign3A_294 : i32 to vector<512x1xi32>
      %ne3A_296 = arith.cmpi ne, %sign3A_287, %ne3A_295 : vector<512x1xi32>
      %rem3A_297 = vector.broadcast %jit3A_276 : i32 to vector<512x1xi32>
      %rem3A_298 = arith.remsi %iota3A, %rem3A_297 : vector<512x1xi32>
      %ne3A_299 = arith.constant 0 : i32
      %ne3A_300 = vector.broadcast %ne3A_299 : i32 to vector<512x1xi32>
      %ne3A_301 = arith.cmpi ne, %rem3A_298, %ne3A_300 : vector<512x1xi32>
      %and3A_302 = arith.andi %ne3A_296, %ne3A_301 : vector<512x1xi1>
      %sub3A_303 = arith.constant 1 : i32
      %sub3A_304 = vector.broadcast %sub3A_303 : i32 to vector<512x1xi32>
      %sub3A_305 = arith.subi %div3A_278, %sub3A_304 : vector<512x1xi32>
      %select_n3A_306 = arith.select %and3A_302, %sub3A_305, %div3A_278 : vector<512x1xi1>, vector<512x1xi32>
      %convert_element_type3A_307 = arith.sitofp %select_n3A_306 : vector<512x1xi32> to vector<512x1xf32>
      %mul3A_308 = vector.broadcast %get3A_0 : f32 to vector<512x1xf32>
      %mul3A_309 = arith.mulf %convert_element_type3A_307, %mul3A_308 : vector<512x1xf32>
      %add3A_310 = vector.broadcast %mul3A_2 : f32 to vector<512x1xf32>
      %add3A_311 = arith.addf %mul3A_309, %add3A_310 : vector<512x1xf32>
      %swap3A_312 = arith.constant 0 : index
      %swap3A_313 = arith.constant 0 : index
      %swap3A_314 = vector.load %arg9[%swap3A_312, %swap3A_313] : memref<512x1xf32, #tpu.memory_space<vmem>>, vector<512x1xf32>
      tpu.vector_store %arg9[%swap3A_312, %swap3A_313], %add3A_311 {strides = array<i32>} : memref<512x1xf32, #tpu.memory_space<vmem>>, vector<512x1xf32>,
    } else {
    }
    %get3A_5 = arith.constant 0 : index
    %get3A_6 = arith.constant 0 : index
    %get3A_7 = vector.load %arg8[%get3A_5, %get3A_6] : memref<512x1xf32, #tpu.memory_space<vmem>>, vector<512x1xf32>
    %mul3A_8 = arith.constant 2 : i32
    %mul3A_9 = arith.muli %mul3A_8, %arg0 : i32
    %convert_element_type3A_10 = arith.sitofp %mul3A_9 : i32 to f32
    %get3A_11 = arith.constant 0 : index
    %get3A_12 = arith.constant 0 : index
    %get3A_13 = vector.load %arg9[%get3A_11, %get3A_12] : memref<512x1xf32, #tpu.memory_space<vmem>>, vector<512x1xf32>
    %mul3A_14 = arith.constant 4.000000e+00 : f32
    %mul3A_15 = arith.mulf %get3A_0, %mul3A_14 : f32
    %mul3A_16 = arith.mulf %mul3A_15, %convert_element_type3A_10 : f32
    %add3A = vector.broadcast %mul3A_16 : f32 to vector<512x1xf32>
    %add3A_17 = arith.addf %get3A_13, %add3A : vector<512x1xf32>
    %mul3A_18 = arith.constant 16 : i32
    %mul3A_19 = arith.muli %mul3A_9, %mul3A_18 : i32
    %get3A_20 = arith.index_cast %mul3A_19 : i32 to index
    %get3A_21 = memref.load %arg2[%get3A_20] : memref<512xi32, #tpu.memory_space<smem>>
    %add3A_22 = arith.constant 127 : i32
    %add3A_23 = arith.addi %get3A_21, %add3A_22 : i32
    %jit3A = arith.constant 128 : i32
    %div3A = arith.divsi %add3A_23, %jit3A : i32
    %sign3A = arith.constant 0 : i32
    %sign3A_24 = arith.cmpi sgt, %add3A_23, %sign3A : i32
    %sign3A_25 = arith.extui %sign3A_24 : i1 to i32
    %sign3A_26 = arith.constant 0 : i32
    %sign3A_27 = arith.cmpi slt, %add3A_23, %sign3A_26 : i32
    %sign3A_28 = arith.extui %sign3A_27 : i1 to i32
    %sign3A_29 = arith.subi %sign3A_25, %sign3A_28 : i32
    %sign3A_30 = arith.constant 0 : i32
    %sign3A_31 = arith.cmpi sgt, %jit3A, %sign3A_30 : i32
    %sign3A_32 = arith.extui %sign3A_31 : i1 to i32
    %sign3A_33 = arith.constant 0 : i32
    %sign3A_34 = arith.cmpi slt, %jit3A, %sign3A_33 : i32
    %sign3A_35 = arith.extui %sign3A_34 : i1 to i32
    %sign3A_36 = arith.subi %sign3A_32, %sign3A_35 : i32
    %ne3A = arith.cmpi ne, %sign3A_29, %sign3A_36 : i32
    %rem3A = arith.remsi %add3A_23, %jit3A : i32
    %ne3A_37 = arith.constant 0 : i32
    %ne3A_38 = arith.cmpi ne, %rem3A, %ne3A_37 : i32
    %and3A = arith.andi %ne3A, %ne3A_38 : i1
    %sub3A_39 = arith.constant 1 : i32
    %sub3A_40 = arith.subi %div3A, %sub3A_39 : i32
    %select_n3A = arith.select %and3A, %sub3A_40, %div3A : i32
    %broadcast_in_dim3A = arith.constant 9.216000e+03 : f32
    %broadcast_in_dim3A_41 = vector.broadcast %broadcast_in_dim3A : f32 to vector<512x128xf32>
    %get3A_42 = arith.constant 0 : index
    %get3A_43 = arith.constant 0 : index
    %get3A_44 = arith.constant 0 : index
    %get3A_45 = vector.load %arg3[%get3A_42, %get3A_43, %get3A_44] : memref<1x1x3456xf32, #tpu.memory_space<vmem>>, vector<1x1x128xf32>
    %get3A_46 = vector.shape_cast %get3A_45 : vector<1x1x128xf32> to vector<128xf32>
    %reshape3A = vector.shape_cast %get3A_46 : vector<128xf32> to vector<1x128xf32>
    %get3A_47 = arith.constant 0 : index
    %get3A_48 = arith.constant 0 : index
    %get3A_49 = arith.constant 0 : index
    %get3A_50 = vector.load %arg4[%get3A_47, %get3A_48, %get3A_49] : memref<1x1x3456xf32, #tpu.memory_space<vmem>>, vector<1x1x128xf32>
    %get3A_51 = vector.shape_cast %get3A_50 : vector<1x1x128xf32> to vector<128xf32>
    %reshape3A_52 = vector.shape_cast %get3A_51 : vector<128xf32> to vector<1x128xf32>
    %sub3A_53 = vector.broadcast %get3A_7 : vector<512x1xf32> to vector<512x128xf32>
    %sub3A_54 = vector.broadcast %reshape3A : vector<1x128xf32> to vector<512x128xf32>
    %sub3A_55 = arith.subf %sub3A_53, %sub3A_54 : vector<512x128xf32>
    %sub3A_56 = vector.broadcast %add3A_17 : vector<512x1xf32> to vector<512x128xf32>
    %sub3A_57 = vector.broadcast %reshape3A_52 : vector<1x128xf32> to vector<512x128xf32>
    %sub3A_58 = arith.subf %sub3A_56, %sub3A_57 : vector<512x128xf32>
    %mul3A_59 = arith.mulf %sub3A_55, %sub3A_55 : vector<512x128xf32>
    %mul3A_60 = arith.mulf %sub3A_58, %sub3A_58 : vector<512x128xf32>
    %add3A_61 = arith.addf %mul3A_59, %mul3A_60 : vector<512x128xf32>
    %min3A = arith.minimumf %broadcast_in_dim3A_41, %add3A_61 : vector<512x128xf32>
    %get3A_62 = arith.constant 0 : index
    %get3A_63 = arith.constant 0 : index
    %get3A_64 = arith.constant 128 : index
    %get3A_65 = vector.load %arg3[%get3A_62, %get3A_63, %get3A_64] : memref<1x1x3456xf32, #tpu.memory_space<vmem>>, vector<1x1x128xf32>
    %get3A_66 = vector.shape_cast %get3A_65 : vector<1x1x128xf32> to vector<128xf32>
    %reshape3A_67 = vector.shape_cast %get3A_66 : vector<128xf32> to vector<1x128xf32>
    %get3A_68 = arith.constant 0 : index
    %get3A_69 = arith.constant 0 : index
    %get3A_70 = arith.constant 128 : index
    %get3A_71 = vector.load %arg4[%get3A_68, %get3A_69, %get3A_70] : memref<1x1x3456xf32, #tpu.memory_space<vmem>>, vector<1x1x128xf32>
    %get3A_72 = vector.shape_cast %get3A_71 : vector<1x1x128xf32> to vector<128xf32>
    %reshape3A_73 = vector.shape_cast %get3A_72 : vector<128xf32> to vector<1x128xf32>
    %sub3A_74 = vector.broadcast %get3A_7 : vector<512x1xf32> to vector<512x128xf32>
    %sub3A_75 = vector.broadcast %reshape3A_67 : vector<1x128xf32> to vector<512x128xf32>
    %sub3A_76 = arith.subf %sub3A_74, %sub3A_75 : vector<512x128xf32>
    %sub3A_77 = vector.broadcast %add3A_17 : vector<512x1xf32> to vector<512x128xf32>
    %sub3A_78 = vector.broadcast %reshape3A_73 : vector<1x128xf32> to vector<512x128xf32>
    %sub3A_79 = arith.subf %sub3A_77, %sub3A_78 : vector<512x128xf32>
    %mul3A_80 = arith.mulf %sub3A_76, %sub3A_76 : vector<512x128xf32>
    %mul3A_81 = arith.mulf %sub3A_79, %sub3A_79 : vector<512x128xf32>
    %add3A_82 = arith.addf %mul3A_80, %mul3A_81 : vector<512x128xf32>
    %min3A_83 = arith.minimumf %min3A, %add3A_82 : vector<512x128xf32>
    %get3A_84 = arith.constant 0 : index
    %get3A_85 = arith.constant 0 : index
    %get3A_86 = arith.constant 256 : index
    %get3A_87 = vector.load %arg3[%get3A_84, %get3A_85, %get3A_86] : memref<1x1x3456xf32, #tpu.memory_space<vmem>>, vector<1x1x128xf32>
    %get3A_88 = vector.shape_cast %get3A_87 : vector<1x1x128xf32> to vector<128xf32>
    %reshape3A_89 = vector.shape_cast %get3A_88 : vector<128xf32> to vector<1x128xf32>
    %get3A_90 = arith.constant 0 : index
    %get3A_91 = arith.constant 0 : index
    %get3A_92 = arith.constant 256 : index
    %get3A_93 = vector.load %arg4[%get3A_90, %get3A_91, %get3A_92] : memref<1x1x3456xf32, #tpu.memory_space<vmem>>, vector<1x1x128xf32>
    %get3A_94 = vector.shape_cast %get3A_93 : vector<1x1x128xf32> to vector<128xf32>
    %reshape3A_95 = vector.shape_cast %get3A_94 : vector<128xf32> to vector<1x128xf32>
    %sub3A_96 = vector.broadcast %get3A_7 : vector<512x1xf32> to vector<512x128xf32>
    %sub3A_97 = vector.broadcast %reshape3A_89 : vector<1x128xf32> to vector<512x128xf32>
    %sub3A_98 = arith.subf %sub3A_96, %sub3A_97 : vector<512x128xf32>
    %sub3A_99 = vector.broadcast %add3A_17 : vector<512x1xf32> to vector<512x128xf32>
    %sub3A_100 = vector.broadcast %reshape3A_95 : vector<1x128xf32> to vector<512x128xf32>
    %sub3A_101 = arith.subf %sub3A_99, %sub3A_100 : vector<512x128xf32>
    %mul3A_102 = arith.mulf %sub3A_98, %sub3A_98 : vector<512x128xf32>
    %mul3A_103 = arith.mulf %sub3A_101, %sub3A_101 : vector<512x128xf32>
    %add3A_104 = arith.addf %mul3A_102, %mul3A_103 : vector<512x128xf32>
    %min3A_105 = arith.minimumf %min3A_83, %add3A_104 : vector<512x128xf32>
    %while3A = arith.constant 3 : i32
    %while3A_106 = arith.subi %select_n3A, %while3A : i32
    %while3A_107 = arith.addi %while3A, %while3A_106 : i32
    %while3A_108 = arith.constant 1 : i32
    %while3A_109 = arith.divsi %while3A_106, %while3A_108 : i32
    %while3A_110 = arith.muli %while3A_109, %while3A_108 : i32
    %while3A_111 = arith.addi %while3A, %while3A_110 : i32
    %while3A_112 = arith.constant 1 : i32
    %while3A_113 = scf.for %while3A_247 = %while3A to %while3A_111 step %while3A_112 iter_args(%while3A_248 = %min3A_105) -> (vector<512x128xf32>)  : i32 {
      %mul3A_249 = arith.constant 128 : i32
      %mul3A_250 = arith.muli %while3A_247, %mul3A_249 : i32
      %get3A_251 = arith.constant 0 : index
      %get3A_252 = arith.constant 0 : index
      %get3A_253 = arith.index_cast %mul3A_250 : i32 to index
      %get3A_254 = vector.load %arg3[%get3A_251, %get3A_252, %get3A_253] : memref<1x1x3456xf32, #tpu.memory_space<vmem>>, vector<1x1x128xf32>
      %get3A_255 = vector.shape_cast %get3A_254 : vector<1x1x128xf32> to vector<128xf32>
      %reshape3A_256 = vector.shape_cast %get3A_255 : vector<128xf32> to vector<1x128xf32>
      %mul3A_257 = arith.constant 128 : i32
      %mul3A_258 = arith.muli %while3A_247, %mul3A_257 : i32
      %get3A_259 = arith.constant 0 : index
      %get3A_260 = arith.constant 0 : index
      %get3A_261 = arith.index_cast %mul3A_258 : i32 to index
      %get3A_262 = vector.load %arg4[%get3A_259, %get3A_260, %get3A_261] : memref<1x1x3456xf32, #tpu.memory_space<vmem>>, vector<1x1x128xf32>
      %get3A_263 = vector.shape_cast %get3A_262 : vector<1x1x128xf32> to vector<128xf32>
      %reshape3A_264 = vector.shape_cast %get3A_263 : vector<128xf32> to vector<1x128xf32>
      %sub3A_265 = vector.broadcast %get3A_7 : vector<512x1xf32> to vector<512x128xf32>
      %sub3A_266 = vector.broadcast %reshape3A_256 : vector<1x128xf32> to vector<512x128xf32>
      %sub3A_267 = arith.subf %sub3A_265, %sub3A_266 : vector<512x128xf32>
      %sub3A_268 = vector.broadcast %add3A_17 : vector<512x1xf32> to vector<512x128xf32>
      %sub3A_269 = vector.broadcast %reshape3A_264 : vector<1x128xf32> to vector<512x128xf32>
      %sub3A_270 = arith.subf %sub3A_268, %sub3A_269 : vector<512x128xf32>
      %mul3A_271 = arith.mulf %sub3A_267, %sub3A_267 : vector<512x128xf32>
      %mul3A_272 = arith.mulf %sub3A_270, %sub3A_270 : vector<512x128xf32>
      %add3A_273 = arith.addf %mul3A_271, %mul3A_272 : vector<512x128xf32>
      %min3A_274 = arith.minimumf %while3A_248, %add3A_273 : vector<512x128xf32>
      scf.yield %min3A_274 : vector<512x128xf32>
    }
    %while3A_114 = arith.constant 1 : i32
    %while3A_115 = scf.for %while3A_247 = %while3A_111 to %while3A_107 step %while3A_114 iter_args(%while3A_248 = %while3A_113) -> (vector<512x128xf32>)  : i32 {
      %mul3A_249 = arith.constant 128 : i32
      %mul3A_250 = arith.muli %while3A_247, %mul3A_249 : i32
      %get3A_251 = arith.constant 0 : index
      %get3A_252 = arith.constant 0 : index
      %get3A_253 = arith.index_cast %mul3A_250 : i32 to index
      %get3A_254 = vector.load %arg3[%get3A_251, %get3A_252, %get3A_253] : memref<1x1x3456xf32, #tpu.memory_space<vmem>>, vector<1x1x128xf32>
      %get3A_255 = vector.shape_cast %get3A_254 : vector<1x1x128xf32> to vector<128xf32>
      %reshape3A_256 = vector.shape_cast %get3A_255 : vector<128xf32> to vector<1x128xf32>
      %mul3A_257 = arith.constant 128 : i32
      %mul3A_258 = arith.muli %while3A_247, %mul3A_257 : i32
      %get3A_259 = arith.constant 0 : index
      %get3A_260 = arith.constant 0 : index
      %get3A_261 = arith.index_cast %mul3A_258 : i32 to index
      %get3A_262 = vector.load %arg4[%get3A_259, %get3A_260, %get3A_261] : memref<1x1x3456xf32, #tpu.memory_space<vmem>>, vector<1x1x128xf32>
      %get3A_263 = vector.shape_cast %get3A_262 : vector<1x1x128xf32> to vector<128xf32>
      %reshape3A_264 = vector.shape_cast %get3A_263 : vector<128xf32> to vector<1x128xf32>
      %sub3A_265 = vector.broadcast %get3A_7 : vector<512x1xf32> to vector<512x128xf32>
      %sub3A_266 = vector.broadcast %reshape3A_256 : vector<1x128xf32> to vector<512x128xf32>
      %sub3A_267 = arith.subf %sub3A_265, %sub3A_266 : vector<512x128xf32>
      %sub3A_268 = vector.broadcast %add3A_17 : vector<512x1xf32> to vector<512x128xf32>
      %sub3A_269 = vector.broadcast %reshape3A_264 : vector<1x128xf32> to vector<512x128xf32>
      %sub3A_270 = arith.subf %sub3A_268, %sub3A_269 : vector<512x128xf32>
      %mul3A_271 = arith.mulf %sub3A_267, %sub3A_267 : vector<512x128xf32>
      %mul3A_272 = arith.mulf %sub3A_270, %sub3A_270 : vector<512x128xf32>
      %add3A_273 = arith.addf %mul3A_271, %mul3A_272 : vector<512x128xf32>
      %min3A_274 = arith.minimumf %while3A_248, %add3A_273 : vector<512x128xf32>
      scf.yield %min3A_274 : vector<512x128xf32>
    }
    %reduce_min3A = arith.constant dense<0x7F800000> : vector<512xf32>
    %reduce_min3A_116 = vector.multi_reduction <minimumf>, %while3A_115, %reduce_min3A [1] : vector<512x128xf32> to vector<512xf32>
    %broadcast_in_dim3A_117 = vector.shape_cast %reduce_min3A_116 : vector<512xf32> to vector<512x1xf32>
    %reshape3A_118 = vector.shape_cast %broadcast_in_dim3A_117 : vector<512x1xf32> to vector<4x128xf32>
    %mul3A_119 = arith.constant 2 : i32
    %mul3A_120 = arith.muli %mul3A_119, %arg0 : i32
    %add3A_121 = arith.constant 1 : i32
    %add3A_122 = arith.addi %mul3A_120, %add3A_121 : i32
    %convert_element_type3A_123 = arith.sitofp %add3A_122 : i32 to f32
    %get3A_124 = arith.constant 0 : index
    %get3A_125 = arith.constant 0 : index
    %get3A_126 = vector.load %arg9[%get3A_124, %get3A_125] : memref<512x1xf32, #tpu.memory_space<vmem>>, vector<512x1xf32>
    %mul3A_127 = arith.constant 4.000000e+00 : f32
    %mul3A_128 = arith.mulf %get3A_0, %mul3A_127 : f32
    %mul3A_129 = arith.mulf %mul3A_128, %convert_element_type3A_123 : f32
    %add3A_130 = vector.broadcast %mul3A_129 : f32 to vector<512x1xf32>
    %add3A_131 = arith.addf %get3A_126, %add3A_130 : vector<512x1xf32>
    %mul3A_132 = arith.constant 16 : i32
    %mul3A_133 = arith.muli %add3A_122, %mul3A_132 : i32
    %get3A_134 = arith.index_cast %mul3A_133 : i32 to index
    %get3A_135 = memref.load %arg2[%get3A_134] : memref<512xi32, #tpu.memory_space<smem>>
    %add3A_136 = arith.constant 127 : i32
    %add3A_137 = arith.addi %get3A_135, %add3A_136 : i32
    %jit3A_138 = arith.constant 128 : i32
    %div3A_139 = arith.divsi %add3A_137, %jit3A_138 : i32
    %sign3A_140 = arith.constant 0 : i32
    %sign3A_141 = arith.cmpi sgt, %add3A_137, %sign3A_140 : i32
    %sign3A_142 = arith.extui %sign3A_141 : i1 to i32
    %sign3A_143 = arith.constant 0 : i32
    %sign3A_144 = arith.cmpi slt, %add3A_137, %sign3A_143 : i32
    %sign3A_145 = arith.extui %sign3A_144 : i1 to i32
    %sign3A_146 = arith.subi %sign3A_142, %sign3A_145 : i32
    %sign3A_147 = arith.constant 0 : i32
    %sign3A_148 = arith.cmpi sgt, %jit3A_138, %sign3A_147 : i32
    %sign3A_149 = arith.extui %sign3A_148 : i1 to i32
    %sign3A_150 = arith.constant 0 : i32
    %sign3A_151 = arith.cmpi slt, %jit3A_138, %sign3A_150 : i32
    %sign3A_152 = arith.extui %sign3A_151 : i1 to i32
    %sign3A_153 = arith.subi %sign3A_149, %sign3A_152 : i32
    %ne3A_154 = arith.cmpi ne, %sign3A_146, %sign3A_153 : i32
    %rem3A_155 = arith.remsi %add3A_137, %jit3A_138 : i32
    %ne3A_156 = arith.constant 0 : i32
    %ne3A_157 = arith.cmpi ne, %rem3A_155, %ne3A_156 : i32
    %and3A_158 = arith.andi %ne3A_154, %ne3A_157 : i1
    %sub3A_159 = arith.constant 1 : i32
    %sub3A_160 = arith.subi %div3A_139, %sub3A_159 : i32
    %select_n3A_161 = arith.select %and3A_158, %sub3A_160, %div3A_139 : i32
    %broadcast_in_dim3A_162 = arith.constant 9.216000e+03 : f32
    %broadcast_in_dim3A_163 = vector.broadcast %broadcast_in_dim3A_162 : f32 to vector<512x128xf32>
    %get3A_164 = arith.constant 0 : index
    %get3A_165 = arith.constant 0 : index
    %get3A_166 = arith.constant 0 : index
    %get3A_167 = vector.load %arg5[%get3A_164, %get3A_165, %get3A_166] : memref<1x1x3456xf32, #tpu.memory_space<vmem>>, vector<1x1x128xf32>
    %get3A_168 = vector.shape_cast %get3A_167 : vector<1x1x128xf32> to vector<128xf32>
    %reshape3A_169 = vector.shape_cast %get3A_168 : vector<128xf32> to vector<1x128xf32>
    %get3A_170 = arith.constant 0 : index
    %get3A_171 = arith.constant 0 : index
    %get3A_172 = arith.constant 0 : index
    %get3A_173 = vector.load %arg6[%get3A_170, %get3A_171, %get3A_172] : memref<1x1x3456xf32, #tpu.memory_space<vmem>>, vector<1x1x128xf32>
    %get3A_174 = vector.shape_cast %get3A_173 : vector<1x1x128xf32> to vector<128xf32>
    %reshape3A_175 = vector.shape_cast %get3A_174 : vector<128xf32> to vector<1x128xf32>
    %sub3A_176 = vector.broadcast %get3A_7 : vector<512x1xf32> to vector<512x128xf32>
    %sub3A_177 = vector.broadcast %reshape3A_169 : vector<1x128xf32> to vector<512x128xf32>
    %sub3A_178 = arith.subf %sub3A_176, %sub3A_177 : vector<512x128xf32>
    %sub3A_179 = vector.broadcast %add3A_131 : vector<512x1xf32> to vector<512x128xf32>
    %sub3A_180 = vector.broadcast %reshape3A_175 : vector<1x128xf32> to vector<512x128xf32>
    %sub3A_181 = arith.subf %sub3A_179, %sub3A_180 : vector<512x128xf32>
    %mul3A_182 = arith.mulf %sub3A_178, %sub3A_178 : vector<512x128xf32>
    %mul3A_183 = arith.mulf %sub3A_181, %sub3A_181 : vector<512x128xf32>
    %add3A_184 = arith.addf %mul3A_182, %mul3A_183 : vector<512x128xf32>
    %min3A_185 = arith.minimumf %broadcast_in_dim3A_163, %add3A_184 : vector<512x128xf32>
    %get3A_186 = arith.constant 0 : index
    %get3A_187 = arith.constant 0 : index
    %get3A_188 = arith.constant 128 : index
    %get3A_189 = vector.load %arg5[%get3A_186, %get3A_187, %get3A_188] : memref<1x1x3456xf32, #tpu.memory_space<vmem>>, vector<1x1x128xf32>
    %get3A_190 = vector.shape_cast %get3A_189 : vector<1x1x128xf32> to vector<128xf32>
    %reshape3A_191 = vector.shape_cast %get3A_190 : vector<128xf32> to vector<1x128xf32>
    %get3A_192 = arith.constant 0 : index
    %get3A_193 = arith.constant 0 : index
    %get3A_194 = arith.constant 128 : index
    %get3A_195 = vector.load %arg6[%get3A_192, %get3A_193, %get3A_194] : memref<1x1x3456xf32, #tpu.memory_space<vmem>>, vector<1x1x128xf32>
    %get3A_196 = vector.shape_cast %get3A_195 : vector<1x1x128xf32> to vector<128xf32>
    %reshape3A_197 = vector.shape_cast %get3A_196 : vector<128xf32> to vector<1x128xf32>
    %sub3A_198 = vector.broadcast %get3A_7 : vector<512x1xf32> to vector<512x128xf32>
    %sub3A_199 = vector.broadcast %reshape3A_191 : vector<1x128xf32> to vector<512x128xf32>
    %sub3A_200 = arith.subf %sub3A_198, %sub3A_199 : vector<512x128xf32>
    %sub3A_201 = vector.broadcast %add3A_131 : vector<512x1xf32> to vector<512x128xf32>
    %sub3A_202 = vector.broadcast %reshape3A_197 : vector<1x128xf32> to vector<512x128xf32>
    %sub3A_203 = arith.subf %sub3A_201, %sub3A_202 : vector<512x128xf32>
    %mul3A_204 = arith.mulf %sub3A_200, %sub3A_200 : vector<512x128xf32>
    %mul3A_205 = arith.mulf %sub3A_203, %sub3A_203 : vector<512x128xf32>
    %add3A_206 = arith.addf %mul3A_204, %mul3A_205 : vector<512x128xf32>
    %min3A_207 = arith.minimumf %min3A_185, %add3A_206 : vector<512x128xf32>
    %get3A_208 = arith.constant 0 : index
    %get3A_209 = arith.constant 0 : index
    %get3A_210 = arith.constant 256 : index
    %get3A_211 = vector.load %arg5[%get3A_208, %get3A_209, %get3A_210] : memref<1x1x3456xf32, #tpu.memory_space<vmem>>, vector<1x1x128xf32>
    %get3A_212 = vector.shape_cast %get3A_211 : vector<1x1x128xf32> to vector<128xf32>
    %reshape3A_213 = vector.shape_cast %get3A_212 : vector<128xf32> to vector<1x128xf32>
    %get3A_214 = arith.constant 0 : index
    %get3A_215 = arith.constant 0 : index
    %get3A_216 = arith.constant 256 : index
    %get3A_217 = vector.load %arg6[%get3A_214, %get3A_215, %get3A_216] : memref<1x1x3456xf32, #tpu.memory_space<vmem>>, vector<1x1x128xf32>
    %get3A_218 = vector.shape_cast %get3A_217 : vector<1x1x128xf32> to vector<128xf32>
    %reshape3A_219 = vector.shape_cast %get3A_218 : vector<128xf32> to vector<1x128xf32>
    %sub3A_220 = vector.broadcast %get3A_7 : vector<512x1xf32> to vector<512x128xf32>
    %sub3A_221 = vector.broadcast %reshape3A_213 : vector<1x128xf32> to vector<512x128xf32>
    %sub3A_222 = arith.subf %sub3A_220, %sub3A_221 : vector<512x128xf32>
    %sub3A_223 = vector.broadcast %add3A_131 : vector<512x1xf32> to vector<512x128xf32>
    %sub3A_224 = vector.broadcast %reshape3A_219 : vector<1x128xf32> to vector<512x128xf32>
    %sub3A_225 = arith.subf %sub3A_223, %sub3A_224 : vector<512x128xf32>
    %mul3A_226 = arith.mulf %sub3A_222, %sub3A_222 : vector<512x128xf32>
    %mul3A_227 = arith.mulf %sub3A_225, %sub3A_225 : vector<512x128xf32>
    %add3A_228 = arith.addf %mul3A_226, %mul3A_227 : vector<512x128xf32>
    %min3A_229 = arith.minimumf %min3A_207, %add3A_228 : vector<512x128xf32>
    %while3A_230 = arith.constant 3 : i32
    %while3A_231 = arith.subi %select_n3A_161, %while3A_230 : i32
    %while3A_232 = arith.addi %while3A_230, %while3A_231 : i32
    %while3A_233 = arith.constant 1 : i32
    %while3A_234 = arith.divsi %while3A_231, %while3A_233 : i32
    %while3A_235 = arith.muli %while3A_234, %while3A_233 : i32
    %while3A_236 = arith.addi %while3A_230, %while3A_235 : i32
    %while3A_237 = arith.constant 1 : i32
    %while3A_238 = scf.for %while3A_247 = %while3A_230 to %while3A_236 step %while3A_237 iter_args(%while3A_248 = %min3A_229) -> (vector<512x128xf32>)  : i32 {
      %mul3A_249 = arith.constant 128 : i32
      %mul3A_250 = arith.muli %while3A_247, %mul3A_249 : i32
      %get3A_251 = arith.constant 0 : index
      %get3A_252 = arith.constant 0 : index
      %get3A_253 = arith.index_cast %mul3A_250 : i32 to index
      %get3A_254 = vector.load %arg5[%get3A_251, %get3A_252, %get3A_253] : memref<1x1x3456xf32, #tpu.memory_space<vmem>>, vector<1x1x128xf32>
      %get3A_255 = vector.shape_cast %get3A_254 : vector<1x1x128xf32> to vector<128xf32>
      %reshape3A_256 = vector.shape_cast %get3A_255 : vector<128xf32> to vector<1x128xf32>
      %mul3A_257 = arith.constant 128 : i32
      %mul3A_258 = arith.muli %while3A_247, %mul3A_257 : i32
      %get3A_259 = arith.constant 0 : index
      %get3A_260 = arith.constant 0 : index
      %get3A_261 = arith.index_cast %mul3A_258 : i32 to index
      %get3A_262 = vector.load %arg6[%get3A_259, %get3A_260, %get3A_261] : memref<1x1x3456xf32, #tpu.memory_space<vmem>>, vector<1x1x128xf32>
      %get3A_263 = vector.shape_cast %get3A_262 : vector<1x1x128xf32> to vector<128xf32>
      %reshape3A_264 = vector.shape_cast %get3A_263 : vector<128xf32> to vector<1x128xf32>
      %sub3A_265 = vector.broadcast %get3A_7 : vector<512x1xf32> to vector<512x128xf32>
      %sub3A_266 = vector.broadcast %reshape3A_256 : vector<1x128xf32> to vector<512x128xf32>
      %sub3A_267 = arith.subf %sub3A_265, %sub3A_266 : vector<512x128xf32>
      %sub3A_268 = vector.broadcast %add3A_131 : vector<512x1xf32> to vector<512x128xf32>
      %sub3A_269 = vector.broadcast %reshape3A_264 : vector<1x128xf32> to vector<512x128xf32>
      %sub3A_270 = arith.subf %sub3A_268, %sub3A_269 : vector<512x128xf32>
      %mul3A_271 = arith.mulf %sub3A_267, %sub3A_267 : vector<512x128xf32>
      %mul3A_272 = arith.mulf %sub3A_270, %sub3A_270 : vector<512x128xf32>
      %add3A_273 = arith.addf %mul3A_271, %mul3A_272 : vector<512x128xf32>
      %min3A_274 = arith.minimumf %while3A_248, %add3A_273 : vector<512x128xf32>
      scf.yield %min3A_274 : vector<512x128xf32>
    }
    %while3A_239 = arith.constant 1 : i32
    %while3A_240 = scf.for %while3A_247 = %while3A_236 to %while3A_232 step %while3A_239 iter_args(%while3A_248 = %while3A_238) -> (vector<512x128xf32>)  : i32 {
      %mul3A_249 = arith.constant 128 : i32
      %mul3A_250 = arith.muli %while3A_247, %mul3A_249 : i32
      %get3A_251 = arith.constant 0 : index
      %get3A_252 = arith.constant 0 : index
      %get3A_253 = arith.index_cast %mul3A_250 : i32 to index
      %get3A_254 = vector.load %arg5[%get3A_251, %get3A_252, %get3A_253] : memref<1x1x3456xf32, #tpu.memory_space<vmem>>, vector<1x1x128xf32>
      %get3A_255 = vector.shape_cast %get3A_254 : vector<1x1x128xf32> to vector<128xf32>
      %reshape3A_256 = vector.shape_cast %get3A_255 : vector<128xf32> to vector<1x128xf32>
      %mul3A_257 = arith.constant 128 : i32
      %mul3A_258 = arith.muli %while3A_247, %mul3A_257 : i32
      %get3A_259 = arith.constant 0 : index
      %get3A_260 = arith.constant 0 : index
      %get3A_261 = arith.index_cast %mul3A_258 : i32 to index
      %get3A_262 = vector.load %arg6[%get3A_259, %get3A_260, %get3A_261] : memref<1x1x3456xf32, #tpu.memory_space<vmem>>, vector<1x1x128xf32>
      %get3A_263 = vector.shape_cast %get3A_262 : vector<1x1x128xf32> to vector<128xf32>
      %reshape3A_264 = vector.shape_cast %get3A_263 : vector<128xf32> to vector<1x128xf32>
      %sub3A_265 = vector.broadcast %get3A_7 : vector<512x1xf32> to vector<512x128xf32>
      %sub3A_266 = vector.broadcast %reshape3A_256 : vector<1x128xf32> to vector<512x128xf32>
      %sub3A_267 = arith.subf %sub3A_265, %sub3A_266 : vector<512x128xf32>
      %sub3A_268 = vector.broadcast %add3A_131 : vector<512x1xf32> to vector<512x128xf32>
      %sub3A_269 = vector.broadcast %reshape3A_264 : vector<1x128xf32> to vector<512x128xf32>
      %sub3A_270 = arith.subf %sub3A_268, %sub3A_269 : vector<512x128xf32>
      %mul3A_271 = arith.mulf %sub3A_267, %sub3A_267 : vector<512x128xf32>
      %mul3A_272 = arith.mulf %sub3A_270, %sub3A_270 : vector<512x128xf32>
      %add3A_273 = arith.addf %mul3A_271, %mul3A_272 : vector<512x128xf32>
      %min3A_274 = arith.minimumf %while3A_248, %add3A_273 : vector<512x128xf32>
      scf.yield %min3A_274 : vector<512x128xf32>
    }
    %reduce_min3A_241 = arith.constant dense<0x7F800000> : vector<512xf32>
    %reduce_min3A_242 = vector.multi_reduction <minimumf>, %while3A_240, %reduce_min3A_241 [1] : vector<512x128xf32> to vector<512xf32>
    %broadcast_in_dim3A_243 = vector.shape_cast %reduce_min3A_242 : vector<512xf32> to vector<512x1xf32>
    %reshape3A_244 = vector.shape_cast %broadcast_in_dim3A_243 : vector<512x1xf32> to vector<4x128xf32>
    %concatenate3A = tpu.concatenate %reshape3A_118, %reshape3A_244 in 0 : vector<4x128xf32>, vector<4x128xf32> -> vector<8x128xf32>
    %swap3A = arith.constant 0 : index
    %swap3A_245 = arith.constant 0 : index
    %swap3A_246 = vector.load %arg7[%swap3A, %swap3A_245] : memref<8x128xf32, #tpu.memory_space<vmem>>, vector<8x128xf32>
    tpu.vector_store %arg7[%swap3A, %swap3A_245], %concatenate3A {strides = array<i32>} : memref<8x128xf32, #tpu.memory_space<vmem>>, vector<8x128xf32>,
    return
  }
  func.func @transform_0(%arg0: i32) -> i32 {
    %c0_i32 = arith.constant 0 : i32
    %c0_i32_0 = arith.constant 0 : i32
    return %c0_i32 : i32
  }
  func.func @transform_1(%arg0: i32) -> i32 {
    %c0_i32 = arith.constant 0 : i32
    %c0_i32_0 = arith.constant 0 : i32
    return %c0_i32 : i32
  }
  func.func @transform_2(%arg0: i32) -> (i32, i32, i32) {
    %mul3A = arith.constant 2 : i32
    %mul3A_0 = arith.muli %mul3A, %arg0 : i32
    %c0_i32 = arith.constant 0 : i32
    %c0_i32_1 = arith.constant 0 : i32
    %c0_i32_2 = arith.constant 0 : i32
    return %mul3A_0, %c0_i32, %c0_i32_1 : i32, i32, i32
  }
  func.func @transform_3(%arg0: i32) -> (i32, i32, i32) {
    %mul3A = arith.constant 2 : i32
    %mul3A_0 = arith.muli %mul3A, %arg0 : i32
    %c0_i32 = arith.constant 0 : i32
    %c0_i32_1 = arith.constant 0 : i32
    %c0_i32_2 = arith.constant 0 : i32
    return %mul3A_0, %c0_i32, %c0_i32_1 : i32, i32, i32
  }
  func.func @transform_4(%arg0: i32) -> (i32, i32, i32) {
    %mul3A = arith.constant 2 : i32
    %mul3A_0 = arith.muli %mul3A, %arg0 : i32
    %add3A = arith.constant 1 : i32
    %add3A_1 = arith.addi %mul3A_0, %add3A : i32
    %c0_i32 = arith.constant 0 : i32
    %c0_i32_2 = arith.constant 0 : i32
    %c0_i32_3 = arith.constant 0 : i32
    return %add3A_1, %c0_i32, %c0_i32_2 : i32, i32, i32
  }
  func.func @transform_5(%arg0: i32) -> (i32, i32, i32) {
    %mul3A = arith.constant 2 : i32
    %mul3A_0 = arith.muli %mul3A, %arg0 : i32
    %add3A = arith.constant 1 : i32
    %add3A_1 = arith.addi %mul3A_0, %add3A : i32
    %c0_i32 = arith.constant 0 : i32
    %c0_i32_2 = arith.constant 0 : i32
    %c0_i32_3 = arith.constant 0 : i32
    return %add3A_1, %c0_i32, %c0_i32_2 : i32, i32, i32
  }
  func.func @transform_6(%arg0: i32) -> (i32, i32) {
    %c0_i32 = arith.constant 0 : i32
    %c0_i32_0 = arith.constant 0 : i32
    return %arg0, %c0_i32 : i32, i32
  }
}

</mosaic_0001>

<sc_bundles>
// kernel: kernel.5.cloned.1.call-start
scs
__scs_entry_jumppad:
0x0: {  	(pc) =	sbr.rel $0x88, $3  }
0x1: {  	(tag) =	ssettag $0x0;
	lr =	simm.s32 $0x1  }
0x2: {  	[smem:$0x3F9E] =	sst lr;
	_ =	strace $0xD0000000  }
0x3: {  	_ = 	snop  }
0x4: {  	_ = 	snop  }
0x5: {  	_ = 	snop  }
0x6: {  	_ = 	snop  }
0x7: {  	_ = 	snop  }
__scs_overlays_trampoline_lowered:
0x8: {  	[smem:$0x3FAD] =	sst s0  }
0x9: {  	[smem:$0x3FAE] =	sst s1  }
0xa: {  	[smem:$0x3FAF] =	sst s2  }
0xb: {  	[smem:$0x3FB0] =	sst s3  }
0xc: {  	[smem:$0x3FB1] =	sst s4  }
0xd: {  	[smem:$0x3FB2] =	sst s5  }
0xe: {  	[smem:$0x3FB3] =	sst s6  }
0xf: {  	[smem:$0x3FB4] =	sst s7  }
0x10: {  	[smem:$0x3FB5] =	sst s8  }
0x11: {  	[smem:$0x3FB6] =	sst s9;
	s0 =	simm.s32 @!p0 $0x0  }
0x12: {  	s1 =	sld [smem:$0x3F9C];
	s0 =	simm.s32 @p0 $0x1  }
0x13: {  	[smem:$0x3FB7] =	sst s0;
	s0 =	simm.s32 @!p1 $0x0  }
0x14: {  	s2 =	sld [smem:$0x3F9B];
	s0 =	simm.s32 @p1 $0x1  }
0x15: {  	[smem:$0x3FB8] =	sst s0;
	s0 =	simm.s32 @!p2 $0x0  }
0x16: {  	s3 =	sld [smem:$0x3FDB];
	s0 =	simm.s32 @p2 $0x1  }
0x17: {  	s4 =	simm.s32 $0x1BF5;
	[smem:$0x3FBA] =	sst s0  }
0x18: {  	s0 =	sld [smem:$0x3F9D];
	_ =	swait.ge [sflag:s4], $0x0  }
0x19: {  	s7 =	sld [smem:$0x3F9E]  }
0x1a: {  	s8 =	sadd.s32 $0xFFFFE003, lr  }
0x1b: {  	s9 =	sadd.s32 $0xFFFFFEF7, lr;
	s5 =	simm.s32 $0xFFFFFFFF;
	p2 =	slt.u32 s8, $0xFFFFF086  }
0x1c: {  	p1 =	slt.u32 s9, $0xF7A;
	s5 =	simm.s32 @!p2 $0x0  }
0x1d: {  	s5 =	simm.s32 @p1 $0x1;
	p0 =	seq.s32 s7, s2  }
0x1e: {  	s7 =	smul.u32 @!p0 $0xF7A, s2;
	p2 =	seq.s32 @!p0 s5, $0x0  }
0x1f: {  	s9 =	smul.u32 $0xF7A, s1;
	s8 =	simm.s32 @!p0 $0x1BF5;
	p2 =	por !p2, p0  }
0x20: {  	[sflag:s8] =	ssyncset.s32 @!p0 $0xFFFFF086;
	s6 =	sadd.s32 @!p0 s3, s7;
	s7 =	simm.s32 @!p0 $0x108  }
0x21: {  	s3 =	sadd.s32 s3, s9;
	s6 =	sadd.s32 @!p0 $0x88, s6;
	s7 =	simm.s32 @p2 $0x1082  }
0x22: {  	[simem:s7], [sflag:s8] =	dma.local @!p0 [hbm:s6], $0xF7A  }
0x23: {  	s9 =	sor.u32 $0xD0000000, s2;
	s6 =	simm.s32 $0x108;
	_ =	swait.ge @!p0 [sflag:s8], $0x0  }
0x24: {  	s3 =	sadd.s32 $0x88, s3;
	s6 =	simm.s32 @!p1 $0x1082;
	[sflag:s4] =	ssyncset.s32 $0xFFFFF086  }
0x25: {  	[simem:s6], [sflag:s4] =	dma.local [hbm:s3], $0xF7A  }
0x26: {  	[smem:$0x3F9E] =	sst s1;
	(tag) =	ssettag s2;
	_ =	strace s9  }
0x27: {  	s1 =	sld [smem:$0x3FAE]  }
0x28: {  	s2 =	sld [smem:$0x3FAF]  }
0x29: {  	s4 =	sld [smem:$0x3FB1]  }
0x2a: {  	p0 =	seq.s32 s5, $0x0;
	s5 =	sld [smem:$0x3FB2]  }
0x2b: {  	s6 =	sld [smem:$0x3FB3]  }
0x2c: {  	s7 =	sld [smem:$0x3FB4]  }
0x2d: {  	s3 =	simm.s32 $0x108;
	s8 =	sld [smem:$0x3FB5]  }
0x2e: {  	s3 =	simm.s32 @!p0 $0x1082;
	s9 =	sld [smem:$0x3FB6]  }
0x2f: {  	lr =	sadd.s32 s0, s3;
	s0 =	sld [smem:$0x3FAD]  }
0x30: {  	s3 =	sld [smem:$0x3FB0]  }
0x31: {  	[smem:$0x3FB9] =	sst s10  }
0x32: {  	s10 =	sld [smem:$0x3FB7];
	_ =	sdelay $0x3  }
0x33: {  	p0 =	seq.s32 s10, $0x1;
	s10 =	sld [smem:$0x3FB9];
	_ =	sdelay $0x3  }
0x34: {  	[smem:$0x3FB9] =	sst s10  }
0x35: {  	s10 =	sld [smem:$0x3FB8];
	_ =	sdelay $0x3  }
0x36: {  	p1 =	seq.s32 s10, $0x1;
	s10 =	sld [smem:$0x3FB9];
	_ =	sdelay $0x3  }
0x37: {  	[smem:$0x3FB9] =	sst s10  }
0x38: {  	s10 =	sld [smem:$0x3FBA]  }
0x39: {  	_ = 	snop;
	(pc) =	sbr.ind lr, $3  }
0x3a: {  	_ = 	snop  }
0x3b: {  	_ = 	snop  }
0x3c: {  	p2 =	seq.s32 s10, $0x1;
	s10 =	sld [smem:$0x3FB9]  }
0x3d: {  	_ =	shalt  }
0x3e: {  	_ =	shalt  }
0x3f: {  	_ =	shalt  }
0x40: {  	_ =	shalt  }
0x41: {  	_ =	shalt  }
0x42: {  	_ =	shalt  }
0x43: {  	_ =	shalt  }
0x44: {  	_ =	shalt  }
0x45: {  	_ =	shalt  }
0x46: {  	_ =	shalt  }
0x47: {  	_ =	shalt  }
0x48: {  	_ =	shalt  }
0x49: {  	_ =	shalt  }
0x4a: {  	_ =	shalt  }
0x4b: {  	_ =	shalt  }
0x4c: {  	_ =	shalt  }
0x4d: {  	_ =	shalt  }
0x4e: {  	_ =	shalt  }
0x4f: {  	_ =	shalt  }
0x50: {  	_ =	shalt  }
0x51: {  	_ =	shalt  }
0x52: {  	_ =	shalt  }
0x53: {  	_ =	shalt  }
0x54: {  	_ =	shalt  }
0x55: {  	_ =	shalt  }
0x56: {  	_ =	shalt  }
0x57: {  	_ =	shalt  }
0x58: {  	_ =	shalt  }
0x59: {  	_ =	shalt  }
0x5a: {  	_ =	shalt  }
0x5b: {  	_ =	shalt  }
0x5c: {  	_ =	shalt  }
0x5d: {  	_ =	shalt  }
0x5e: {  	_ =	shalt  }
0x5f: {  	_ =	shalt  }
0x60: {  	_ =	shalt  }
0x61: {  	_ =	shalt  }
0x62: {  	_ =	shalt  }
0x63: {  	_ =	shalt  }
0x64: {  	_ =	shalt  }
0x65: {  	_ =	shalt  }
0x66: {  	_ =	shalt  }
0x67: {  	_ =	shalt  }
0x68: {  	_ =	shalt  }
0x69: {  	_ =	shalt  }
0x6a: {  	_ =	shalt  }
0x6b: {  	_ =	shalt  }
0x6c: {  	_ =	shalt  }
0x6d: {  	_ =	shalt  }
0x6e: {  	_ =	shalt  }
0x6f: {  	_ =	shalt  }
0x70: {  	_ =	shalt  }
0x71: {  	_ =	shalt  }
0x72: {  	_ =	shalt  }
0x73: {  	_ =	shalt  }
0x74: {  	_ =	shalt  }
0x75: {  	_ =	shalt  }
0x76: {  	_ =	shalt  }
0x77: {  	_ =	shalt  }
0x78: {  	_ =	shalt  }
0x79: {  	_ =	shalt  }
0x7a: {  	_ =	shalt  }
0x7b: {  	_ =	shalt  }
0x7c: {  	_ =	shalt  }
0x7d: {  	_ =	shalt  }
0x7e: {  	_ =	shalt  }
0x7f: {  	_ =	shalt  }
0x80: {  	_ =	shalt  }
0x81: {  	_ =	shalt  }
0x82: {  	_ =	shalt  }
0x83: {  	_ =	shalt  }
0x84: {  	_ =	shalt  }
0x85: {  	_ =	shalt  }
0x86: {  	_ =	shalt  }
0x87: {  	_ =	shalt  }
.Lfunc_end0:
.L_simem_size_0:
called_computation_lowered:
.L_overlay_start_0:
0x88: {  	s2 =	sld [smem:$0x3FD9]  }
0x89: {  	s3 =	sld [smem:$0x3FFE];
	_ =	sdelay $0x1  }
0x8a: {  	s1 =	srdreg.scid  }
0x8b: {  	s0 =	sand.u32 $0x1, s1  }
0x8c: {  	s17 =	sshll.u32 s0, $0xA;
	s2 =	sadd.s32 s3, s2  }
0x8d: {  	s2 =	sadd.s32 s2, s17  }
0x8e: {  	[smem:$0x3FC5] =	sst s2  }
0x8f: {  	_ = 	snop  }
0x90: {  	s2 =	sld [smem:$0x3FD0];
	(tm) =	ssettm $0x1  }
0x91: {  	s18 =	sld [smem:$0x3FFB];
	_ =	sdelay $0x3  }
0x92: {  	_ =	strace s18  }
0x93: {  	s3 =	sld [smem:$0x3FFC];
	_ =	sdelay $0x3  }
0x94: {  	_ =	strace s3  }
0x95: {  	s3 =	sld [smem:$0x3FFD];
	_ =	sdelay $0x3  }
0x96: {  	_ =	strace s3  }
0x97: {  	_ =	strace $0x8FFFFFFF  }
0x98: {  	s19 =	sld [smem:$0x3FDB];
	_ =	sdelay $0x1  }
0x99: {  	s4 =	simm.s32 $_scs_section_size  }
0x9a: {  	s5 =	simm.s32 $_size__tile_overlayer_lowered;
	s6 =	simm.s32 $_tile_overlayer_lowered  }
0x9b: {  	s22 =	simm.s32 $0x1BFF;
	s21 =	sshll.u32 s6, $0x1;
	s3 =	sadd.s32 s4, s19  }
0x9c: {  	s7 =	simm.s32 $0x0;
	s20 =	sshll.u32 s5, $0x1;
	s5 =	sadd.s32 s21, s3  }
0x9d: {  	[timem:s7], [sflag:s22] =	dma.local [hbm:s5], s20  }
0x9e: {  	_ =	swait.ge [sflag:s22], s20  }
0x9f: {  	s4 =	ssub.s32 $0x0, s20;
	[sflag:s22] =	ssyncset.done $0x0  }
0xa0: {  	[sflag:s22] =	ssyncadd.s32 s4;
	_ =	sdelay $0x1  }
0xa1: {  	s23 =	simm.s32 $0x1B8B  }
0xa2: {  	_ =	swait.ge [sflag:s23], $0x1  }
0xa3: {  	[sflag:s23] =	ssyncset.done $0x0  }
0xa4: {  	s25 =	simm.s32 $0x1B8E;
	s24 =	sld [smem:$0x3FFE];
	[sflag:s23] =	ssyncadd.s32 $0xFFFFFFFF  }
0xa5: {  	s26 =	simm.s32 $execute0_lowered;
	[smem:$0x3FD2] =	sst s25  }
0xa6: {  	s5 =	sshll.u32 s26, $0x1;
	_ =	strace $0x80000046;
	[dreg:$0x1] =	wrdreg $0xFFFFFFFF  }
0xa7: {  	s28 =	simm.s32 $_size_execute0_lowered;
	s3 =	sadd.s32 s3, s5;
	[dreg:$0x0] =	wrdreg $0x0  }
0xa8: {  	s5 =	sshll.u32 s28, $0x1;
	[dreg:$0x2] =	wrdreg s3  }
0xa9: {  	[dreg:$0x3] =	wrdreg s5  }
0xaa: {  	[dreg:$0x4] =	wrdreg $0xC0  }
0xab: {  	_ =	task [dreg:s7], $0x5FFFF  }
0xac: {  	[dreg:$0x1] =	wrdreg $0xFFFFFFFF  }
0xad: {  	[dreg:$0x0] =	wrdreg $0x60  }
0xae: {  	[dreg:$0x2] =	wrdreg s24  }
0xaf: {  	[dreg:$0x3] =	wrdreg s2  }
0xb0: {  	[dreg:$0x4] =	wrdreg $0x9  }
0xb1: {  	_ =	task.clear_ibuf [dreg:s7], $0x5FFFF;
	_ =	strace $0x90000046  }
0xb2: {  	s29 =	simm.s32 $0x9;
	_ =	strace $0x80000048  }
0xb3: {  	_ =	swait.ge [sflag:s29], $0x1  }
0xb4: {  	[sflag:s29] =	ssyncadd.s32 $0xFFFFFFFF  }
0xb5: {  	_ =	strace $0x90000048  }
0xb6: {  	_ =	sfence  }
0xb7: {  	s30 =	sld [smem:$0x0];
	_ =	sdelay $0x2  }
0xb8: {  	s31 =	sshll.u32 s1, $0xD;
	s1 =	sshrl.u32 s1, $0x2  }
0xb9: {  	s3 =	sand.u32 $0x4000, s31;
	s1 =	sadd.s32 s1, s30  }
0xba: {  	s0 =	sor.u32 s3, s0;
	s1 =	sshll.u32 s1, $0x11  }
0xbb: {  	s0 =	sor.u32 s1, s0  }
0xbc: {  	s0 =	sadd.s32 $0x8F2B, s0  }
0xbd: {  	[sflag:s0] =	ssyncadd.remote.s32 $0x1  }
0xbe: {  	_ =	sfence.sel $0xFFFF  }
0xbf: {  	[dreg:$0x0] =	wrdreg $0xFFFFFFFF;
	(pc) =	sbr.abs _section_cstart, $3  }
0xc0: {  	[dreg:$0x1] =	wrdreg $0xFFFFFFFF  }
0xc1: {  	_ =	task.clear_ibuf [dreg:s7], $0x2FFFF;
	_ =	strace $0x9FFFFFFF  }
0xc2: {  	(tm) =	ssettm $0x7FFFFFFF  }
0xc3: {  	_ =	shalt  }
tec
execute0_lowered:
.L_overlay_start_1:
0x0: {  	(tag) =	ssettag $0x1  }
0x1: {  	s0 =	srdreg.scid;
	s6 =	rddreg [dreg:$0x0]  }
0x2: {  	s2 =	rddreg [dreg:$0x1];
	s1 =	stileid.u32;
	s3 =	simm.s32 $0x0  }
0x3: {  	s13 =	simm.s32 $0xC00;
	s14 =	simm.s32 $0x1800;
	s15 =	simm.s32 $0x1880  }
0x4: {  	s16 =	simm.s32 $0x2600;
	s7 =	sand.u32 $0x1, s0;
	s0 =	rddreg [dreg:$0x2]  }
0x5: {  	s17 =	simm.s32 $0x3380;
	s18 =	simm.s32 $0x0;
	[smem:$0x7FF] =	sst s3  }
0x6: {  	s5 =	sadd.s32 $0x1400, s6;
	s4 =	sshll.u32 s7, $0x4;
	_ =	strace $0x80000047  }
0x7: {  	s7 =	ssub.s32 $0x2, s7;
	s8 =	sor.u32 s1, s4;
	s4 =	sadd.s32 $0x1600, s6  }
0x8: {  	s30 =	sshrl.u32 s7, $0x1;
	s9 =	smul.u32 $0x1B0, s8;
	s10 =	sshll.u32 s8, $0x1  }
0x9: {  	s11 =	sshll.u32 s8, $0x2;
	s12 =	ssub.s32 s7, s30;
	s31 =	sshllo.u32 s8, $0x2  }
0xa: {  	vm0 =	vmmov $0x1;
	v0 =	vimm.s32 $0x0;
	s10 =	sadd.s32 s10, s6;
	s7 =	scvt.s32.f32 s31;
	s9 =	sadd.s32 s9, s6  }
0xb: {  	v0 =	vsel vm0, $0xFFFFFFFF, v0;
	s6 =	scvt.s32.f32 s11;
	s10 =	sadd.s32 $0x1800, s10;
	s11 =	smax.u32 s12, $0x1  }
0xc: {  	vm1 =	vmmov $0xff;
	v1 =	vimm.f32 $1.000000000e+09;
	[tilespmem:$0x1FFF0] =	vst v0;
	v0 =	vimm.s32 $0x0;
	s12 =	simm.s32 $0x1;
	s8 =	sadd.s32 $0x1A00, s9;
	s9 =	sadd.s32 $0x5000, s9  }
.LBB2_1:
0xd: {  	[tilespmem:s3], [sflag:$0x1] =	stream.linear.gather [hbm4b:s4+s3], $0xC00, $0x38;
	[tilespmem:$0x3400] =	vst v63  }
0xe: {  	_ =	swait.ge [sflag:s12], $0xC00  }
0xf: {  	[sflag:s12] =	ssyncset.done $0x0  }
0x10: {  	[sflag:s12] =	ssyncadd.s32 $0xFFFFF400  }
0x11: {  	[tilespmem:s13], [sflag:$0x1] =	stream.linear.gather [hbm4b:s5+s3], $0xC00, $0x38;
	[tilespmem:$0x3400] =	vst v63  }
0x12: {  	_ =	swait.ge [sflag:s12], $0xC00  }
0x13: {  	[sflag:s12] =	ssyncset.done $0x0  }
0x14: {  	[sflag:s12] =	ssyncadd.s32 $0xFFFFF400  }
0x15: {  	[tilespmem:s14], [sflag:$0x1] =	stream.linear.gather [hbm4b:s2+s3], $0x80, $0x38;
	[tilespmem:$0x3400] =	vst v63  }
0x16: {  	_ =	swait.ge [sflag:s12], $0x80  }
0x17: {  	[sflag:s12] =	ssyncset.done $0x0  }
0x18: {  	v3 =	vld [tilespmem:$0x1FFF0];
	[sflag:s12] =	ssyncadd.s32 $0xFFFFFF80  }
0x19: {  	v2 =	vld [tilespmem:$0x1800];
	_ =	sdelay $0x3  }
0x1a: {  	vm0 =	vnez.u8 v3  }
0x1b: {  	v2 =	vnsel vm0, $0x0, v2  }
0x1c: {  	(xrf2) =	vadd.scan.msk.f32 $0xffff, v2;
	_ =	sdelay $0x9  }
0x1d: {  	v2, _, _ =	vpop (xrf2)  }
0x1e: {  	(v2sf) =	vpush v2, $0xF;
	_ =	sdelay $0xe  }
0x1f: {  	s19 =	spop (v2sf)  }
0x20: {  	s20 =	sadd.f32 $-1.000000000e+00, s19  }
0x21: {  	s21 =	smul.f32 s6, s19  }
0x22: {  	s20 =	smul.f32 $5.000000000e-01, s20  }
0x23: {  	s19 =	smul.f32 s7, s19  }
0x24: {  	s22 =	simm.s32 $0xC20;
	s21 =	sadd.f32 s20, s21  }
0x25: {  	v14 =	vld [tilespmem:s22+$0xFFFFFFE0];
	s19 =	sadd.f32 s20, s19  }
0x26: {  	s25 =	sadd.f32 $-9.600000000e+01, s21  }
0x27: {  	v9 =	vld [tilespmem:s22+$0xFFFFFFF0];
	s19 =	sadd.f32 $9.600000000e+01, s19;
	_ =	sdelay $0x1  }
0x28: {  	v2 =	vmov s25;
	v3 =	vmov s19  }
0x29: {  	v19 =	vld [tilespmem:s22+$0x0];
	vm2 =	vge.f32 v14, v2;
	vm3 =	vle.f32 v14, v3  }
0x2a: {  	s26 =	simm.s32 $0xC60;
	v11 =	vld [tilespmem:s22+$0x10];
	vm2 =	vmand vm2, vm3  }
0x2b: {  	v8 =	vld [tilespmem:s26+$0xFFFFFFE0];
	vm4 =	vle.f32 v9, v3;
	vm3 =	vge.f32 v9, v2;
	v4 =	vsel vm2, $0x1, v0  }
0x2c: {  	vm3 =	vmand vm3, vm4;
	(xrf0) =	vadd.scan.msk.s32 $0xffff, v4  }
0x2d: {  	v5 =	vsel vm3, $0x1, v0  }
0x2e: {  	vm4 =	vge.f32 v19, v2;
	(xrf0) =	vadd.scan.msk.s32 $0xffff, v5  }
0x2f: {  	v7 =	vld [tilespmem:s26+$0xFFFFFFF0];
	vm5 =	vle.f32 v19, v3;
	vm4 =	vmmov vm4  }
0x30: {  	vm6 =	vle.f32 v11, v3;
	vm8 =	vge.f32 v8, v2;
	vm4 =	vmand vm4, vm5  }
0x31: {  	v6 =	vld [tilespmem:s26+$0x0];
	vm9 =	vle.f32 v8, v3;
	vm5 =	vge.f32 v11, v2;
	v4 =	vsel vm4, $0x1, v0  }
0x32: {  	vm8 =	vmand vm8, vm9;
	vm10 =	vmmov vm2;
	vm5 =	vmand vm5, vm6;
	v5, _, _ =	vpop (xrf0);
	(xrf0) =	vadd.scan.msk.s32 $0xffff, v4  }
0x33: {  	s28 =	simm.s32 $0xCA0;
	vm9 =	vmmov vm3;
	vm3 =	vmmov vm4;
	v10 =	vsel vm5, $0x1, v0  }
0x34: {  	vm4 =	vge.f32 v7, v2;
	vm2 =	vmmov vm5;
	v4 =	vld [tilespmem:s28+$0x0];
	(v2sf) =	vpush v5, $0xF;
	v5, _, _ =	vpop (xrf0);
	(xrf0) =	vadd.scan.msk.s32 $0xffff, v10  }
0x35: {  	vm5 =	vle.f32 v7, v3;
	v10 =	vld [tilespmem:s26+$0x10];
	(v2sf) =	vpush v5, $0xF;
	v5 =	vsel vm8, $0x1, v0  }
0x36: {  	vm7 =	vge.f32 v6, v2;
	vm4 =	vmand vm4, vm5  }
0x37: {  	vm7 =	vmmov vm7;
	vm6 =	vle.f32 v6, v3;
	v12 =	vsel vm4, $0x1, v0;
	(xrf0) =	vadd.scan.msk.s32 $0xffff, v5  }
0x38: {  	vm10 =	vmmov vm10;
	vm6 =	vmand vm7, vm6;
	vm13 =	vmmov vm3;
	v5, _, _ =	vpop (xrf0);
	(xrf0) =	vadd.scan.msk.s32 $0xffff, v12;
	v12 =	vld [tilespmem:s28+$0xFFFFFFE0]  }
0x39: {  	s29 =	simm.s32 $0x20;
	v16 =	vld [tilespmem:s28+$0xFFFFFFF0];
	v13 =	vsel vm6, $0x1, v0;
	vm3 =	vmmov vm6;
	vm11 =	vge.f32 v4, v2  }
0x3a: {  	v15 =	vld [tilespmem:s29+$0xFFFFFFE0];
	vm5 =	vge.f32 v10, v2;
	vm12 =	vle.f32 v10, v3;
	(v2sf) =	vpush v5, $0xF;
	v5, _, _ =	vpop (xrf0)  }
0x3b: {  	vm14 =	vmmov vm11;
	vm12 =	vmand vm5, vm12;
	(v2sf) =	vpush v5, $0xF  }
0x3c: {  	(xrf0) =	vadd.scan.msk.s32 $0xffff, v13;
	vm5 =	vmmov vm9;
	vm9 =	vmmov vm2;
	v13 =	vsel vm12, $0x1, v0  }
0x3d: {  	vm2 =	vmmov vm12;
	(xrf0) =	vadd.scan.msk.s32 $0xffff, v13;
	vm6 =	vge.f32 v12, v2;
	vm11 =	vle.f32 v12, v3  }
0x3e: {  	vm12 =	vle.f32 v16, v3;
	vm11 =	vmand vm6, vm11;
	vm6 =	vge.f32 v16, v2  }
0x3f: {  	v20 =	vld [tilespmem:s29+$0x0];
	[tilespmem:s3+$0x1880] =	vst.msk vm10, v15;
	v17, _, _ =	vpop (xrf0);
	v15 =	vsel vm11, $0x1, v0;
	vm6 =	vmand vm6, vm12  }
0x40: {  	v21 =	vld [tilespmem:s29+$0xFFFFFFF0];
	s20 =	simm.s32 $0xCE0;
	(v2sf) =	vpush v17, $0xF;
	v17, _, _ =	vpop (xrf0);
	(xrf0) =	vadd.scan.msk.s32 $0xffff, v15;
	v15 =	vsel vm6, $0x1, v0  }
0x41: {  	v5 =	vld [tilespmem:s20+$0x0];
	(v2sf) =	vpush v17, $0xF  }
0x42: {  	v13 =	vld [tilespmem:s28+$0x10];
	v17, _, _ =	vpop (xrf0)  }
0x43: {  	vm7 =	vle.f32 v4, v3;
	(xrf0) =	vadd.scan.msk.s32 $0xffff, v15;
	s30 =	spop (v2sf);
	(v2sf) =	vpush v17, $0xF;
	v15, _, _ =	vpop (xrf0)  }
0x44: {  	vm7 =	vmand vm14, vm7;
	s31 =	spop (v2sf);
	(v2sf) =	vpush v15, $0xF  }
0x45: {  	v18 =	vld [tilespmem:s29+$0x10];
	s19 =	simm.s32 $0x60;
	[tilespmem:s3+$0x2600] =	vst.msk vm10, v14;
	vm4 =	vmmov vm4;
	vm8 =	vmmov vm8;
	v14 =	vsel vm7, $0x1, v0;
	s23 =	sadd.s32 $0x0, s30  }
0x46: {  	vm15 =	vge.f32 v5, v2;
	vm10 =	vle.f32 v5, v3;
	(xrf0) =	vadd.scan.msk.s32 $0xffff, v14;
	v17 =	vld [tilespmem:s19+$0xFFFFFFE0];
	[tilespmem:s23+$0x1880] =	vst.msk vm5, v21;
	s24 =	sadd.s32 s23, s31  }
0x47: {  	vm12 =	vmmov vm8;
	vm14 =	vge.f32 v13, v2;
	vm0 =	vle.f32 v13, v3;
	v15 =	vld [tilespmem:s20+$0xFFFFFFE0];
	[tilespmem:s24+$0x1880] =	vst.msk vm13, v20  }
0x48: {  	s22 =	simm.s32 $0xD20;
	s21 =	simm.s32 $0xC;
	vm8 =	vmmov vm11;
	vm15 =	vmmov vm15;
	vm11 =	vmand vm14, vm0;
	v14 =	vld [tilespmem:s20+$0xFFFFFFF0];
	[tilespmem:s24+$0x2600] =	vst.msk vm13, v19  }
.LBB2_2:
0x49: {  	v19 =	vld [tilespmem:s22+$0x0];
	s21 =	sadd.s32 $0x4, s21;
	v20 =	vsel vm11, $0x1, v0;
	[tilespmem:s23+$0x2600] =	vst.msk vm5, v9;
	s23 =	spop (v2sf);
	v9 =	vmovc v7;
	v7 =	vmovc v16;
	vm5 =	vmmov vm4;
	vm4 =	vmmov vm6  }
0x4a: {  	vm13 =	vmmov vm3;
	vm3 =	vmmov vm7;
	vm0 =	vmmov vm9;
	p0 =	slt.u32 s21, $0xB4;
	v16, _, _ =	vpop (xrf0);
	(xrf0) =	vadd.scan.msk.s32 $0xffff, v20;
	s23 =	sadd.s32 s24, s23;
	s24 =	spop (v2sf)  }
0x4b: {  	vm9 =	vmmov vm2;
	vm2 =	vmmov vm11;
	(v2sf) =	vpush v16, $0xF;
	v16, _, _ =	vpop (xrf0);
	v20 =	vld [tilespmem:s19+$0x0];
	[tilespmem:s23+$0x1880] =	vst.msk vm0, v18;
	s24 =	sadd.s32 s23, s24  }
0x4c: {  	vm6 =	vge.f32 v15, v2;
	vm7 =	vle.f32 v15, v3;
	(v2sf) =	vpush v16, $0xF;
	v16, _, _ =	vpop (xrf0);
	v21 =	vld [tilespmem:s19+$0xFFFFFFF0];
	[tilespmem:s23+$0x2600] =	vst.msk vm0, v11  }
0x4d: {  	v11 =	vmovc v10;
	vm11 =	vmand vm6, vm7;
	vm0 =	vge.f32 v14, v2;
	vm6 =	vle.f32 v14, v3;
	v22 =	vld [tilespmem:s20+$0x10];
	[tilespmem:s24+$0x1880] =	vst.msk vm12, v17;
	s20 =	smov.u32 s22  }
0x4e: {  	v10 =	vmovc v13;
	vm14 =	vge.f32 v19, v2;
	v17 =	vsel vm11, $0x1, v0;
	vm6 =	vmand vm0, vm6;
	[tilespmem:s24+$0x2600] =	vst.msk vm12, v8;
	v8 =	vmovc v12  }
.Ltmp0:
0x4f: {  	vm7 =	vmand vm15, vm10;
	vm10 =	vle.f32 v19, v3;
	v12 =	vmovc v15;
	v18 =	vsel vm6, $0x1, v0;
	(xrf0) =	vadd.scan.msk.s32 $0xffff, v17;
	s23 =	spop (v2sf);
	(pc) =	sbr.rel @p0 .LBB2_2-.Ltmp0, $4  }
0x50: {  	v15 =	vsel vm7, $0x1, v0;
	(xrf0) =	vadd.scan.msk.s32 $0xffff, v18;
	(v2sf) =	vpush v16, $0xF;
	v13, _, _ =	vpop (xrf0);
	s23 =	sadd.s32 s24, s23;
	v18 =	vld [tilespmem:s19+$0x10];
	s19 =	sadd.s32 $0x40, s19;
	s24 =	spop (v2sf);
	v16 =	vmov v14  }
0x51: {  	vm12 =	vmmov vm8;
	(xrf0) =	vadd.scan.msk.s32 $0xffff, v15;
	v17 =	vld [tilespmem:s19+$0xFFFFFFE0];
	(v2sf) =	vpush v13, $0xF;
	[tilespmem:s23+$0x1880] =	vst.msk vm5, v21;
	s24 =	sadd.s32 s23, s24  }
0x52: {  	vm8 =	vmmov vm11;
	v15 =	vld [tilespmem:s22+$0xFFFFFFE0];
	vm0 =	vge.f32 v22, v2;
	vm15 =	vle.f32 v22, v3;
	[tilespmem:s24+$0x1880] =	vst.msk vm13, v20;
	v13 =	vmovc v22  }
0x53: {  	s22 =	sadd.s32 $0x40, s22;
	v14 =	vld [tilespmem:s20+$0xFFFFFFF0];
	vm11 =	vmand vm0, vm15;
	[tilespmem:s24+$0x2600] =	vst.msk vm13, v6;
	v6 =	vmovc v4;
	v4 =	vmovc v5;
	v5 =	vmov v19;
	vm15 =	vmmov vm14  }
0x54: {  	_ =	sdelay $0x2  }
0x55: {  	v19 =	vsel vm11, $0x1, v0;
	vm0 =	vge.f32 v15, v2;
	vm13 =	vle.f32 v15, v3  }
0x56: {  	v43 =	vld [tilespmem:s20+$0x10];
	v20, _, _ =	vpop (xrf0);
	(xrf0) =	vadd.scan.msk.s32 $0xffff, v19;
	vm14 =	vmand vm0, vm13;
	vm0 =	vge.f32 v14, v2;
	vm13 =	vle.f32 v14, v3  }
0x57: {  	(v2sf) =	vpush v20, $0xF;
	v44, _, _ =	vpop (xrf0);
	vm13 =	vmand vm0, vm13;
	v21 =	vsel vm14, $0x1, v0  }
0x58: {  	(v2sf) =	vpush v44, $0xF;
	v45 =	vsel vm13, $0x1, v0;
	(xrf0) =	vadd.scan.msk.s32 $0xffff, v21  }
0x59: {  	v46, _, _ =	vpop (xrf0);
	(xrf0) =	vadd.scan.msk.s32 $0xffff, v45  }
0x5a: {  	s25 =	spop (v2sf);
	(v2sf) =	vpush v46, $0xF;
	vm0 =	vmmov vm9;
	vm9 =	vmand vm15, vm10  }
0x5b: {  	[tilespmem:s23+$0x2600] =	vst.msk vm5, v9;
	v47 =	vld [tilespmem:s19+$0xFFFFFFF0];
	s20 =	sadd.s32 s24, s25;
	vm5 =	vge.f32 v43, v2;
	vm15 =	vle.f32 v43, v3;
	v48 =	vsel vm9, $0x1, v0  }
0x5c: {  	v50 =	vld [tilespmem:s19+$0x0];
	s21 =	spop (v2sf);
	vm5 =	vmand vm5, vm15;
	[tilespmem:s20+$0x1880] =	vst.msk vm0, v18;
	v49, _, _ =	vpop (xrf0);
	(xrf0) =	vadd.scan.msk.s32 $0xffff, v48  }
0x5d: {  	[tilespmem:s20+$0x2600] =	vst.msk vm0, v11;
	s20 =	sadd.s32 s20, s21;
	v51 =	vsel vm5, $0x1, v0;
	(v2sf) =	vpush v49, $0xF  }
0x5e: {  	s26 =	spop (v2sf);
	[tilespmem:s20+$0x1880] =	vst.msk vm12, v17;
	v52, _, _ =	vpop (xrf0);
	(xrf0) =	vadd.scan.msk.s32 $0xffff, v51  }
0x5f: {  	v53 =	vld [tilespmem:s19+$0x10];
	vm0 =	vmmov vm4;
	s28 =	spop (v2sf);
	[tilespmem:s20+$0x2600] =	vst.msk vm12, v8;
	s20 =	sadd.s32 s20, s26;
	(v2sf) =	vpush v52, $0xF;
	v54, _, _ =	vpop (xrf0)  }
0x60: {  	vm3 =	vmmov vm3;
	s29 =	sadd.s32 $0x40, s19;
	[tilespmem:s20+$0x1880] =	vst.msk vm0, v47;
	s21 =	sadd.s32 s20, s28;
	(v2sf) =	vpush v54, $0xF  }
0x61: {  	v55 =	vld [tilespmem:s29+$0xFFFFFFE0];
	[tilespmem:s21+$0x1880] =	vst.msk vm3, v50  }
0x62: {  	vm2 =	vmmov vm2;
	s22 =	spop (v2sf);
	[tilespmem:s20+$0x2600] =	vst.msk vm0, v7;
	v56, _, _ =	vpop (xrf0)  }
0x63: {  	v57 =	vld [tilespmem:s29+$0xFFFFFFF0];
	vm0 =	vmmov vm2;
	[tilespmem:s21+$0x2600] =	vst.msk vm3, v6;
	s30 =	sadd.s32 s21, s22;
	(v2sf) =	vpush v56, $0xF  }
0x64: {  	v58 =	vld [tilespmem:s29+$0x0];
	s31 =	spop (v2sf);
	[tilespmem:s30+$0x1880] =	vst.msk vm0, v53;
	v59, _, _ =	vpop (xrf0)  }
0x65: {  	vm2 =	vmmov vm8;
	s21 =	sadd.s32 s30, s31;
	[tilespmem:s30+$0x2600] =	vst.msk vm0, v10;
	(v2sf) =	vpush v59, $0xF  }
0x66: {  	vm0 =	vmmov vm6;
	[tilespmem:s21+$0x1880] =	vst.msk vm2, v55;
	s22 =	spop (v2sf)  }
0x67: {  	v60 =	vld [tilespmem:s29+$0x10];
	vm3 =	vmmov vm7;
	vm0 =	vmmov vm0;
	[tilespmem:s21+$0x2600] =	vst.msk vm2, v12;
	s23 =	spop (v2sf);
	s20 =	sadd.s32 s21, s22  }
0x68: {  	s19 =	sadd.s32 $0x40, s29;
	vm2 =	vmmov vm3;
	[tilespmem:s20+$0x1880] =	vst.msk vm0, v57;
	s21 =	sadd.s32 s20, s23  }
0x69: {  	v61 =	vld [tilespmem:s19+$0xFFFFFFE0];
	vm3 =	vmmov vm11;
	[tilespmem:s21+$0x1880] =	vst.msk vm2, v58  }
0x6a: {  	vm3 =	vmmov vm3;
	s24 =	spop (v2sf);
	[tilespmem:s20+$0x2600] =	vst.msk vm0, v16  }
0x6b: {  	s25 =	sadd.s32 s21, s24;
	vm0 =	vmmov vm3;
	[tilespmem:s21+$0x2600] =	vst.msk vm2, v4;
	v4 =	vld [tilespmem:s19+$0xFFFFFFF0]  }
0x6c: {  	v62 =	vld [tilespmem:s19+$0x0];
	vm2 =	vmmov vm14;
	[tilespmem:s25+$0x1880] =	vst.msk vm0, v60;
	s26 =	spop (v2sf)  }
0x6d: {  	vm2 =	vmmov vm2;
	[tilespmem:s25+$0x2600] =	vst.msk vm0, v13;
	s21 =	sadd.s32 s25, s26  }
0x6e: {  	vm0 =	vmmov vm13;
	[tilespmem:s21+$0x1880] =	vst.msk vm2, v61;
	s28 =	spop (v2sf)  }
0x6f: {  	v63 =	vld [tilespmem:s19+$0x10];
	vm3 =	vmmov vm9;
	vm0 =	vmmov vm0;
	[tilespmem:s21+$0x2600] =	vst.msk vm2, v15;
	s20 =	sadd.s32 s21, s28;
	s29 =	spop (v2sf)  }
0x70: {  	vm2 =	vmmov vm3;
	[tilespmem:s20+$0x1880] =	vst.msk vm0, v4;
	s19 =	sadd.s32 s20, s29  }
0x71: {  	vm3 =	vmmov vm5;
	[tilespmem:s19+$0x1880] =	vst.msk vm2, v62  }
0x72: {  	vm3 =	vmmov vm3;
	s30 =	spop (v2sf);
	[tilespmem:s20+$0x2600] =	vst.msk vm0, v14  }
0x73: {  	s21 =	sadd.s32 s19, s30;
	vm0 =	vmmov vm3;
	[tilespmem:s19+$0x2600] =	vst.msk vm2, v5  }
0x74: {  	[tilespmem:s21+$0x1880] =	vst.msk vm0, v63;
	s31 =	spop (v2sf)  }
0x75: {  	s20 =	simm.s32 $0x0;
	[tilespmem:s21+$0x2600] =	vst.msk vm0, v43;
	s19 =	sadd.s32 s21, s31  }
.LBB2_4:
0x76: {  	s21 =	sshra.s32 s20, $0x2  }
0x77: {  	v4 =	vld [tilespmem:s21+$0x1780];
	_ =	sdelay $0x4  }
0x78: {  	vm0 =	vge.f32 v4, v2;
	vm2 =	vle.f32 v4, v3  }
0x79: {  	vm0 =	vmand vm0, vm2  }
0x7a: {  	v5 =	vsel vm0, $0x1, v0  }
0x7b: {  	(xrf0) =	vadd.scan.msk.s32 $0xffff, v5;
	_ =	sdelay $0x5  }
0x7c: {  	v5, _, _ =	vpop (xrf0)  }
0x7d: {  	(v2sf) =	vpush v5, $0xF;
	_ =	sdelay $0x9  }
0x7e: {  	v5 =	vld [tilespmem:s21+$0xB80]  }
0x7f: {  	p0 =	sne.s32 s20, $0x80  }
.Ltmp1:
0x80: {  	_ = 	snop;
	(pc) =	sbr.rel @p0 .LBB2_4-.Ltmp1, $3  }
0x81: {  	_ =	sdelay $0x1  }
0x82: {  	[tilespmem:s19+$0x1880] =	vst.msk vm0, v5;
	s31 =	spop (v2sf)  }
0x83: {  	s20 =	sadd.s32 $0x40, s20;
	[tilespmem:s19+$0x2600] =	vst.msk vm0, v4;
	s19 =	sadd.s32 s19, s31  }
0x84: {  	v4 =	vld [tilespmem:$0x17B0];
	_ =	sdelay $0x4  }
0x85: {  	vm0 =	vge.f32 v4, v2;
	vm2 =	vle.f32 v4, v3  }
0x86: {  	vm0 =	vmand vm0, vm2  }
0x87: {  	vm0 =	vmand vm0, vm1  }
0x88: {  	v2 =	vsel vm0, $0x1, v0  }
0x89: {  	(xrf0) =	vadd.scan.msk.s32 $0xffff, v2;
	_ =	sdelay $0x5  }
0x8a: {  	v2, _, _ =	vpop (xrf0)  }
0x8b: {  	(v2sf) =	vpush v2, $0xF;
	_ =	sdelay $0x9  }
0x8c: {  	v2 =	vld [tilespmem:$0xBB0];
	_ =	sdelay $0x4  }
0x8d: {  	[tilespmem:s19+$0x1880] =	vst.msk vm0, v2;
	s20 =	spop (v2sf)  }
0x8e: {  	[tilespmem:s19+$0x2600] =	vst.msk vm0, v4;
	s31 =	sadd.s32 s19, s20  }
0x8f: {  	[tilespmem:s31+$0x1880] =	vst v1  }
0x90: {  	[tilespmem:s31+$0x2600] =	vst v1  }
0x91: {  	[tilespmem:s31+$0x1890] =	vst v1  }
0x92: {  	[tilespmem:s31+$0x2610] =	vst v1  }
0x93: {  	[tilespmem:s31+$0x18A0] =	vst v1  }
0x94: {  	[tilespmem:s31+$0x2620] =	vst v1  }
0x95: {  	[tilespmem:s31+$0x18B0] =	vst v1  }
0x96: {  	[tilespmem:s31+$0x2630] =	vst v1  }
0x97: {  	[tilespmem:s31+$0x18C0] =	vst v1  }
0x98: {  	[tilespmem:s31+$0x2640] =	vst v1  }
0x99: {  	[tilespmem:s31+$0x18D0] =	vst v1  }
0x9a: {  	[tilespmem:s31+$0x2650] =	vst v1  }
0x9b: {  	[tilespmem:s31+$0x18E0] =	vst v1  }
0x9c: {  	[tilespmem:s31+$0x2660] =	vst v1  }
0x9d: {  	[tilespmem:s31+$0x18F0] =	vst v1  }
0x9e: {  	[tilespmem:s31+$0x2670] =	vst v1  }
0x9f: {  	[tilespmem:s31+$0x1900] =	vst v1  }
0xa0: {  	[tilespmem:s31+$0x2680] =	vst v1  }
0xa1: {  	[tilespmem:s31+$0x1910] =	vst v1  }
0xa2: {  	[tilespmem:s31+$0x2690] =	vst v1  }
0xa3: {  	[tilespmem:s31+$0x1920] =	vst v1  }
0xa4: {  	[tilespmem:s31+$0x26A0] =	vst v1  }
0xa5: {  	[tilespmem:s31+$0x1930] =	vst v1  }
0xa6: {  	[tilespmem:s31+$0x26B0] =	vst v1  }
0xa7: {  	[tilespmem:s31+$0x1940] =	vst v1  }
0xa8: {  	[tilespmem:s31+$0x26C0] =	vst v1  }
0xa9: {  	[tilespmem:s31+$0x1950] =	vst v1  }
0xaa: {  	[tilespmem:s31+$0x26D0] =	vst v1  }
0xab: {  	[tilespmem:s31+$0x1960] =	vst v1  }
0xac: {  	[tilespmem:s31+$0x26E0] =	vst v1  }
0xad: {  	[tilespmem:s31+$0x1970] =	vst v1  }
0xae: {  	[tilespmem:s31+$0x26F0] =	vst v1  }
0xaf: {  	[tilespmem:s31+$0x1980] =	vst v1  }
0xb0: {  	[tilespmem:s31+$0x2700] =	vst v1  }
0xb1: {  	[tilespmem:s31+$0x1990] =	vst v1  }
0xb2: {  	[tilespmem:s31+$0x2710] =	vst v1  }
0xb3: {  	[tilespmem:s31+$0x19A0] =	vst v1  }
0xb4: {  	[tilespmem:s31+$0x2720] =	vst v1  }
0xb5: {  	[tilespmem:s31+$0x19B0] =	vst v1  }
0xb6: {  	[tilespmem:s31+$0x2730] =	vst v1  }
0xb7: {  	[tilespmem:s31+$0x19C0] =	vst v1  }
0xb8: {  	[tilespmem:s31+$0x2740] =	vst v1  }
0xb9: {  	[tilespmem:s31+$0x19D0] =	vst v1  }
0xba: {  	[tilespmem:s31+$0x2750] =	vst v1  }
0xbb: {  	[tilespmem:s31+$0x19E0] =	vst v1  }
0xbc: {  	[tilespmem:s31+$0x2760] =	vst v1  }
0xbd: {  	[tilespmem:s31+$0x19F0] =	vst v1  }
0xbe: {  	[tilespmem:s31+$0x2770] =	vst v1  }
0xbf: {  	[hbm4b:s8+s3] =	stream.linear.scatter [tilespmem:s15], [sflag:$0x1], $0xD80, $0x38;
	[tilespmem:$0x3400] =	vst v63  }
0xc0: {  	_ =	swait.ge [sflag:s12], $0xD80  }
0xc1: {  	[sflag:s12] =	ssyncset.done $0x0  }
0xc2: {  	[sflag:s12] =	ssyncadd.s32 $0xFFFFF280  }
0xc3: {  	[hbm4b:s9+s3] =	stream.linear.scatter [tilespmem:s16], [sflag:$0x1], $0xD80, $0x38;
	[tilespmem:$0x3400] =	vst v63  }
0xc4: {  	_ =	swait.ge [sflag:s12], $0xD80  }
0xc5: {  	s18 =	sadd.s32 $0x1, s18;
	[sflag:s12] =	ssyncset.done $0x0  }
0xc6: {  	p0 =	sne.s32 s18, s11;
	v2 =	vmov s31;
	[sflag:s12] =	ssyncadd.s32 $0xFFFFF280  }
.Ltmp2:
0xc7: {  	[tilespmem:$0x3380] =	vst v2;
	(pc) =	sbr.rel @p0 .LBB2_1-.Ltmp2, $4  }
0xc8: {  	[hbm4b:s10+s3] =	stream.linear.scatter [tilespmem:s17], [sflag:$0x1], $0x10, $0x38;
	[tilespmem:$0x3400] =	vst v63  }
0xc9: {  	_ =	swait.ge [sflag:s12], $0x10  }
0xca: {  	[sflag:s12] =	ssyncset.done $0x0  }
0xcb: {  	[sflag:s12] =	ssyncadd.s32 $0xFFFFFFF0  }
0xcc: {  	_ =	sfence.sel $0x180000  }
0xcd: {  	[bflag:$0x0] =	sbarrier.arrive $0xFFFF  }
0xce: {  	p0 =	sne.s32 s1, $0x0;
	_ =	strace $0x90000047  }
0xcf: {  	s0 =	sadd.s32 @!p0 $0x100000, s0;
	[bflag:$0x2] =	sbarrier.arrive $0xFFFF  }
0xd0: {  	[sflag:s0] =	ssyncadd.tile.s32 @!p0 $0x1;
	_ =	shalt  }
.Lfunc_end2:
_tile_overlayer_lowered:
.L_overlay_start_2:
0xd1: {  	(tag) =	ssettag $0x2  }
0xd2: {  	s0 =	rddreg [dreg:$0x0];
	s2 =	stileid.u32  }
0xd3: {  	s1 =	rddreg [dreg:$0x1];
	p0 =	sne.s32 s2, $0x0  }
0xd4: {  	s3 =	rddreg [dreg:$0x2];
	[bflag:$0x3] =	sbarrier.arrive $0xFFFF;
	s2 =	simm.s32 @!p0 $0x1C01  }
0xd5: {  	[timem:s3], [sflag:s2] =	dma.local @!p0 [hbm:s0], s1  }
0xd6: {  	s0 =	simm.s32 @!p0 $0x1  }
0xd7: {  	_ =	swait.ge @!p0 [sflag:s0], s1  }
0xd8: {  	s1 =	ssub.s32 @!p0 $0x0, s1;
	[sflag:s0] =	ssyncset.done @!p0 $0x0  }
0xd9: {  	[sflag:s0] =	ssyncadd.s32 @!p0 s1  }
0xda: {  	[bflag:$0x3] =	sbarrier.arrive $0xFFFF  }
0xdb: {  	_ =	shalt  }

</sc_bundles>
